<compile_context>
chip_gen: v7x
topology: tpu7x:2x2x1
jax: 0.10.2.dev20260603
libtpu: 0.0.44.dev20260713+nightly
codegen_flags: <defaults>
</compile_context>

<pallas_src>
import functools

import jax
import jax.numpy as jnp
from jax import lax
from jax.experimental import pallas as pl
from jax.experimental.pallas import tpu as pltpu
from jax.experimental.pallas import tpu_sc as plsc

N = 10000
NP = 10240
E = 320000
C = 128
NC = 2
NS = 16
NW = NC * NS
EPW = E // NW
BK = 80
NB = 125
CH = 25
NQ = NB // CH
EPAD = NB * BK - EPW
RPS = NP // NS


def _sc_mesh():
    return plsc.VectorSubcoreMesh(core_axis_name="c", subcore_axis_name="s",
                                  num_cores=NC, num_subcores=NS)


@functools.cache
def _build_deg_kernel():
    @functools.partial(
        pl.kernel,
        out_type=jax.ShapeDtypeStruct((NC, NP, C), jnp.float32),
        mesh=_sc_mesh(),
        scratch_types=[
            pltpu.VMEM((NB, BK), jnp.int32),
            pltpu.VMEM((BK, C), jnp.float32),
            pltpu.VMEM_SHARED((NP, C), jnp.float32),
        ],
    )
    def _deg_kernel(dst_hbm, ones_hbm, zeros_hbm, out_hbm, didx, ones_v, acc_sh):
        c = lax.axis_index("c")
        s = lax.axis_index("s")
        wid = c * NS + s
        pltpu.sync_copy(zeros_hbm.at[pl.ds(s * RPS, RPS)],
                        acc_sh.at[pl.ds(s * RPS, RPS)])
        pltpu.sync_copy(ones_hbm, ones_v)
        pltpu.sync_copy(dst_hbm.at[wid], didx)
        plsc.subcore_barrier()

        def body(j, carry):
            pltpu.sync_copy(ones_v, acc_sh.at[didx.at[j]], add=True)
            return carry

        lax.fori_loop(0, NB, body, 0)
        plsc.subcore_barrier()
        pltpu.sync_copy(acc_sh.at[pl.ds(s * RPS, RPS)],
                        out_hbm.at[c, pl.ds(s * RPS, RPS)])

    return _deg_kernel


@functools.cache
def _build_scatter_kernel():
    @functools.partial(
        pl.kernel,
        out_type=jax.ShapeDtypeStruct((NC, NP, C), jnp.float32),
        mesh=_sc_mesh(),
        scratch_types=[
            pltpu.VMEM((2, 2, CH, BK), jnp.int32),
            pltpu.VMEM((BK, C), jnp.float32),
            pltpu.VMEM((BK, C), jnp.float32),
            pltpu.VMEM((BK, C), jnp.float32),
            pltpu.VMEM_SHARED((NP, C), jnp.float32),
            pltpu.SemaphoreType.DMA,
            pltpu.SemaphoreType.DMA,
            pltpu.SemaphoreType.DMA,
        ],
    )
    def _scatter_kernel(g_hbm, idx_hbm, zeros_hbm, out_hbm,
                        ibuf, rows0, rows1, rows2, acc_sh, sem0, sem1, sem2):
        c = lax.axis_index("c")
        s = lax.axis_index("s")
        wid = c * NS + s
        pltpu.sync_copy(zeros_hbm.at[pl.ds(s * RPS, RPS)],
                        acc_sh.at[pl.ds(s * RPS, RPS)])
        pltpu.sync_copy(idx_hbm.at[wid, 0], ibuf.at[0])
        plsc.subcore_barrier()

        rows = (rows0, rows1, rows2)
        sems = (sem0, sem1, sem2)

        pltpu.async_copy(g_hbm.at[ibuf.at[0, 0, 0]], rows0, sem0)
        pltpu.async_copy(g_hbm.at[ibuf.at[0, 0, 1]], rows1, sem1)

        def body(j, carry):
            q = j // CH
            t = j % CH

            @pl.when((t == 0) & (q + 1 < NQ))
            def _():
                pltpu.sync_copy(idx_hbm.at[wid, q + 1],
                                ibuf.at[(q + 1) % 2])

            j2 = j + 2
            q2 = j2 // CH
            t2 = j2 % CH

            for k in range(3):
                @pl.when(j % 3 == k)
                def _(k=k):
                    pltpu.make_async_copy(
                        g_hbm.at[ibuf.at[q % 2, 0, t]], rows[k], sems[k]).wait()

                    @pl.when(j2 < NB)
                    def _():
                        pltpu.async_copy(
                            g_hbm.at[ibuf.at[q2 % 2, 0, t2]],
                            rows[(k + 2) % 3], sems[(k + 2) % 3])

                    pltpu.sync_copy(rows[k], acc_sh.at[ibuf.at[q % 2, 1, t]],
                                    add=True)

            return carry

        lax.fori_loop(0, NB, body, 0)
        plsc.subcore_barrier()
        pltpu.sync_copy(acc_sh.at[pl.ds(s * RPS, RPS)],
                        out_hbm.at[c, pl.ds(s * RPS, RPS)])

    return _scatter_kernel


def _dinv(d_ref):
    deg = d_ref[:, 0:1] + d_ref[:, 1:2] + 1.0
    return lax.rsqrt(deg)


def _tc1_body(x_ref, w1_ref, d_ref, g1_ref):
    h = jnp.dot(x_ref[...], w1_ref[...], preferred_element_type=jnp.float32)
    g1_ref[...] = h * _dinv(d_ref)


def _tc2_body(sp_ref, g1_ref, d_ref, b1_ref, w2_ref, g2_ref):
    dinv = _dinv(d_ref)
    ssum = sp_ref[0, :N, :] + sp_ref[1, :N, :]
    x2 = dinv * (ssum + g1_ref[...]) + b1_ref[...]
    x2 = jnp.maximum(x2, 0.0)
    h2 = jnp.dot(x2, w2_ref[...], preferred_element_type=jnp.float32)
    g2_ref[...] = h2 * dinv


def _tc3_body(sp_ref, g2_ref, d_ref, b2_ref, out_ref):
    dinv = _dinv(d_ref)
    ssum = sp_ref[0, :N, :] + sp_ref[1, :N, :]
    out_ref[...] = dinv * (ssum + g2_ref[...]) + b2_ref[...]


_f32 = jnp.float32
_tc1 = pl.pallas_call(_tc1_body, out_shape=jax.ShapeDtypeStruct((N, C), _f32))
_tc2 = pl.pallas_call(_tc2_body, out_shape=jax.ShapeDtypeStruct((N, C), _f32))
_tc3 = pl.pallas_call(_tc3_body, out_shape=jax.ShapeDtypeStruct((N, C), _f32))


def kernel(x, edge_index, W1, b1, W2, b2):
    ei = edge_index.astype(jnp.int32)
    src2 = ei[0].reshape(NW, EPW)
    dst2 = ei[1].reshape(NW, EPW)
    srcp = jnp.concatenate(
        [src2, jnp.zeros((NW, EPAD), jnp.int32)], axis=1).reshape(NW, NB, BK)
    dstp = jnp.concatenate(
        [dst2, jnp.full((NW, EPAD), NP - 1, jnp.int32)], axis=1).reshape(NW, NB, BK)
    idx4 = jnp.stack([srcp.reshape(NW, NQ, CH, BK),
                      dstp.reshape(NW, NQ, CH, BK)], axis=2)
    onesC = jnp.ones((BK, C), _f32)
    zerosC = jnp.zeros((NP, C), _f32)
    b1r = b1.reshape(1, C)
    b2r = b2.reshape(1, C)

    deg_kernel = _build_deg_kernel()
    scatter_kernel = _build_scatter_kernel()

    degp = deg_kernel(dstp, onesC, zerosC)
    d2 = jnp.stack([degp[0, :N, 0], degp[1, :N, 0]], axis=1)

    g1 = _tc1(x, W1, d2)
    s1 = scatter_kernel(g1, idx4, zerosC)
    g2 = _tc2(s1, g1, d2, b1r, W2)
    s2 = scatter_kernel(g2, idx4, zerosC)
    out = _tc3(s2, g2, d2, b2r)
    return out

# --- scband reference (transcript-rebuilt; emitter-appended) ---
"""Pipeline reference for scband-gcnencoder-2757369004598 (READ-ONLY COPY).

The authoritative reference and input builder live on the scoring server;
editing this copy changes nothing except your own understanding.
"""

import jax, jax.numpy as jnp
import numpy as np

N_NODES = 10000
N_EDGES = 320000
IN_CH = 128
HID_CH = 128
OUT_CH = 128


def setup_inputs(seed: int = 0) -> dict:
    key = jax.random.key(seed)
    k1, k2, k3, k4 = jax.random.split(key, 4)
    x = jax.random.normal(k1, (N_NODES, IN_CH), dtype=jnp.float32)
    edge_index = jax.random.randint(k2, (2, N_EDGES), 0, N_NODES, dtype=jnp.int64)
    s1 = (2.0 / (IN_CH + HID_CH)) ** 0.5
    s2 = (2.0 / (HID_CH + OUT_CH)) ** 0.5
    W1 = jax.random.normal(k3, (IN_CH, HID_CH), dtype=jnp.float32) * s1
    b1 = jnp.zeros((HID_CH,), dtype=jnp.float32)
    W2 = jax.random.normal(k4, (HID_CH, OUT_CH), dtype=jnp.float32) * s2
    b2 = jnp.zeros((OUT_CH,), dtype=jnp.float32)
    return {"x": x, "edge_index": edge_index, "W1": W1, "b1": b1, "W2": W2, "b2": b2}


def _gcn_conv(x, src, dst, W, b, n_nodes):
    # PyG GCNConv semantics: add self loops, symmetric deg^-1/2 normalization,
    # linear transform, scatter-add aggregation to destination nodes, bias.
    loop = jnp.arange(n_nodes, dtype=src.dtype)
    src_sl = jnp.concatenate([src, loop])
    dst_sl = jnp.concatenate([dst, loop])
    deg = jnp.zeros((n_nodes,), dtype=x.dtype).at[dst_sl].add(1.0)
    dinv = jnp.where(deg > 0, jax.lax.rsqrt(deg), 0.0)
    norm = dinv[src_sl] * dinv[dst_sl]
    h = x @ W
    msg = jnp.take(h, src_sl, axis=0) * norm[:, None]
    out = jax.ops.segment_sum(msg, dst_sl, num_segments=n_nodes)
    return out + b


def reference(x, edge_index, W1, b1, W2, b2):
    src = edge_index[0]
    dst = edge_index[1]
    h = _gcn_conv(x, src, dst, W1, b1, N_NODES)
    h = jax.nn.relu(h)
    # dropout is identity in eval mode (training=False)
    out = _gcn_conv(h, src, dst, W2, b2, N_NODES)
    return out

if __name__ == "__main__":
    import jax
    _d = setup_inputs()
    print(jax.jit(kernel)(*tuple(_d.values())))

</pallas_src>

<mosaic_0001>
#map = affine_map<(d0, d1) -> (0, 0, 0)>
#map1 = affine_map<(d0, d1) -> (0, 0)>
module attributes {stable_mosaic.version = 14 : i64} {
  func.func @_deg_kernel(%arg0: i32, %arg1: i32, %arg2: memref<32x125x80xi32, #tpu.memory_space<hbm>>, %arg3: memref<80x128xf32, #tpu.memory_space<hbm>>, %arg4: memref<10240x128xf32, #tpu.memory_space<hbm>>, %arg5: memref<2x10240x128xf32, #tpu.memory_space<hbm>>, %arg6: memref<125x80xi32, #tpu.memory_space<vmem>>, %arg7: memref<80x128xf32, #tpu.memory_space<vmem>>, %arg8: memref<10240x128xf32, #tpu.memory_space<vmem_shared>>) attributes {dimension_semantics = [#tpu.dimension_semantics<core_parallel>, #tpu.dimension_semantics<subcore_parallel>], iteration_bounds = array<i64: 2, 16>, scalar_prefetch = 0 : i64, scratch_operands = 3 : i64, tpu.core_type = #tpu.core_type<sc_vector_subcore>, window_params = [{transform_indices = #map}, {transform_indices = #map1}, {transform_indices = #map1}, {transform_indices = #map}]} {
    %mul3A = arith.constant 16 : i32
    %mul3A_0 = arith.muli %arg0, %mul3A : i32
    %add3A = arith.addi %mul3A_0, %arg1 : i32
    %mul3A_1 = arith.constant 640 : i32
    %mul3A_2 = arith.muli %arg1, %mul3A_1 : i32
    %mul3A_3 = arith.constant 640 : i32
    %mul3A_4 = arith.muli %arg1, %mul3A_3 : i32
    "tpu.region"() ({
      %run_scoped3A = tpu.sem_alloc : memref<!tpu.dma_semaphore, #tpu.memory_space<semaphore_mem>>
      %dma_start3A = arith.constant 0 : i32
      %dma_start3A_15 = tpu.memref_slice %arg8[%mul3A_4, %dma_start3A] : memref<10240x128xf32, #tpu.memory_space<vmem_shared>> -> memref<640x128xf32, #tpu.memory_space<vmem_shared>>
      %dma_start3A_16 = arith.constant 0 : i32
      %dma_start3A_17 = tpu.memref_slice %arg4[%mul3A_2, %dma_start3A_16] : memref<10240x128xf32, #tpu.memory_space<hbm>> -> memref<640x128xf32, #tpu.memory_space<hbm>>
      tpu.enqueue_dma source(%dma_start3A_17 : memref<640x128xf32, #tpu.memory_space<hbm>>) target(%dma_start3A_15 : memref<640x128xf32, #tpu.memory_space<vmem_shared>>) target_semaphore(%run_scoped3A : memref<!tpu.dma_semaphore, #tpu.memory_space<semaphore_mem>>)
      %dma_wait3A = arith.constant 0 : i32
      %dma_wait3A_18 = tpu.memref_slice %arg8[%mul3A_4, %dma_wait3A] : memref<10240x128xf32, #tpu.memory_space<vmem_shared>> -> memref<640x128xf32, #tpu.memory_space<vmem_shared>>
      %dma_wait3A_19 = arith.constant 0 : i32
      %dma_wait3A_20 = tpu.memref_slice %arg4[%mul3A_2, %dma_wait3A_19] : memref<10240x128xf32, #tpu.memory_space<hbm>> -> memref<640x128xf32, #tpu.memory_space<hbm>>
      tpu.wait_dma2 semaphore(%run_scoped3A : memref<!tpu.dma_semaphore, #tpu.memory_space<semaphore_mem>>) src(%dma_wait3A_20 : memref<640x128xf32, #tpu.memory_space<hbm>>) dst(%dma_wait3A_18 : memref<640x128xf32, #tpu.memory_space<vmem_shared>>)
      tpu.yield
    }) : () -> ()
    "tpu.region"() ({
      %run_scoped3A = tpu.sem_alloc : memref<!tpu.dma_semaphore, #tpu.memory_space<semaphore_mem>>
      tpu.enqueue_dma source(%arg3 : memref<80x128xf32, #tpu.memory_space<hbm>>) target(%arg7 : memref<80x128xf32, #tpu.memory_space<vmem>>) target_semaphore(%run_scoped3A : memref<!tpu.dma_semaphore, #tpu.memory_space<semaphore_mem>>)
      tpu.wait_dma2 semaphore(%run_scoped3A : memref<!tpu.dma_semaphore, #tpu.memory_space<semaphore_mem>>) src(%arg3 : memref<80x128xf32, #tpu.memory_space<hbm>>) dst(%arg7 : memref<80x128xf32, #tpu.memory_space<vmem>>)
      tpu.yield
    }) : () -> ()
    "tpu.region"() ({
      %run_scoped3A = tpu.sem_alloc : memref<!tpu.dma_semaphore, #tpu.memory_space<semaphore_mem>>
      %dma_start3A = arith.constant 0 : i32
      %dma_start3A_15 = arith.constant 0 : i32
      %dma_start3A_16 = tpu.memref_slice %arg2[%add3A, %dma_start3A, %dma_start3A_15] : memref<32x125x80xi32, #tpu.memory_space<hbm>> -> memref<1x125x80xi32, #tpu.memory_space<hbm>>
      %dma_start3A_17 = tpu.memref_squeeze %dma_start3A_16 : memref<1x125x80xi32, #tpu.memory_space<hbm>> -> memref<125x80xi32, #tpu.memory_space<hbm>>
      %dma_start3A_18 = arith.constant 0 : i32
      %dma_start3A_19 = arith.constant 0 : i32
      %dma_start3A_20 = tpu.memref_slice %arg2[%add3A, %dma_start3A_18, %dma_start3A_19] : memref<32x125x80xi32, #tpu.memory_space<hbm>> -> memref<1x125x80xi32, #tpu.memory_space<hbm>>
      %dma_start3A_21 = tpu.memref_squeeze %dma_start3A_20 : memref<1x125x80xi32, #tpu.memory_space<hbm>> -> memref<125x80xi32, #tpu.memory_space<hbm>>
      tpu.enqueue_dma source(%dma_start3A_21 : memref<125x80xi32, #tpu.memory_space<hbm>>) target(%arg6 : memref<125x80xi32, #tpu.memory_space<vmem>>) target_semaphore(%run_scoped3A : memref<!tpu.dma_semaphore, #tpu.memory_space<semaphore_mem>>)
      %dma_wait3A = arith.constant 0 : i32
      %dma_wait3A_22 = arith.constant 0 : i32
      %dma_wait3A_23 = tpu.memref_slice %arg2[%add3A, %dma_wait3A, %dma_wait3A_22] : memref<32x125x80xi32, #tpu.memory_space<hbm>> -> memref<1x125x80xi32, #tpu.memory_space<hbm>>
      %dma_wait3A_24 = tpu.memref_squeeze %dma_wait3A_23 : memref<1x125x80xi32, #tpu.memory_space<hbm>> -> memref<125x80xi32, #tpu.memory_space<hbm>>
      %dma_wait3A_25 = arith.constant 0 : i32
      %dma_wait3A_26 = arith.constant 0 : i32
      %dma_wait3A_27 = tpu.memref_slice %arg2[%add3A, %dma_wait3A_25, %dma_wait3A_26] : memref<32x125x80xi32, #tpu.memory_space<hbm>> -> memref<1x125x80xi32, #tpu.memory_space<hbm>>
      %dma_wait3A_28 = tpu.memref_squeeze %dma_wait3A_27 : memref<1x125x80xi32, #tpu.memory_space<hbm>> -> memref<125x80xi32, #tpu.memory_space<hbm>>
      tpu.wait_dma2 semaphore(%run_scoped3A : memref<!tpu.dma_semaphore, #tpu.memory_space<semaphore_mem>>) src(%dma_wait3A_28 : memref<125x80xi32, #tpu.memory_space<hbm>>) dst(%arg6 : memref<125x80xi32, #tpu.memory_space<vmem>>)
      tpu.yield
    }) : () -> ()
    %barrier3A = arith.constant 0 : index
    tpu.barrier barrier_id(%barrier3A)
    %scan3A = arith.constant 0 : i32
    %scan3A_5 = arith.constant 0 : i32
    %scan3A_6 = arith.constant 125 : i32
    %scan3A_7 = arith.addi %scan3A_5, %scan3A_6 : i32
    %scan3A_8 = arith.constant 1 : i32
    scf.for %scan3A_15 = %scan3A_5 to %scan3A_7 step %scan3A_8  : i32 {
      "tpu.region"() ({
        %run_scoped3A = tpu.sem_alloc : memref<!tpu.dma_semaphore, #tpu.memory_space<semaphore_mem>>
        %dma_start3A = arith.constant 0 : i32
        %dma_start3A_16 = tpu.memref_slice %arg6[%scan3A_15, %dma_start3A] : memref<125x80xi32, #tpu.memory_space<vmem>> -> memref<1x80xi32, #tpu.memory_space<vmem>>
        %dma_start3A_17 = tpu.memref_squeeze %dma_start3A_16 : memref<1x80xi32, #tpu.memory_space<vmem>> -> memref<80xi32, #tpu.memory_space<vmem>>
        %dma_start3A_18 = arith.constant 0 : i32
        %dma_start3A_19 = arith.constant 0 : i32
        %dma_start3A_20 = tpu.memref_slice %arg8[%dma_start3A_18, %dma_start3A_19] : memref<10240x128xf32, #tpu.memory_space<vmem_shared>> -> memref<10240x128xf32, #tpu.memory_space<vmem_shared>>
        tpu.enqueue_indirect_dma source(%arg7 : memref<80x128xf32, #tpu.memory_space<vmem>>) target(%dma_start3A_20 : memref<10240x128xf32, #tpu.memory_space<vmem_shared>>) offsets(%dma_start3A_17 : memref<80xi32, #tpu.memory_space<vmem>>) semaphore(%run_scoped3A : memref<!tpu.dma_semaphore, #tpu.memory_space<semaphore_mem>>) {add = true}
        %dma_wait3A = arith.constant 0 : i32
        %dma_wait3A_21 = tpu.memref_slice %arg6[%scan3A_15, %dma_wait3A] : memref<125x80xi32, #tpu.memory_space<vmem>> -> memref<1x80xi32, #tpu.memory_space<vmem>>
        %dma_wait3A_22 = tpu.memref_squeeze %dma_wait3A_21 : memref<1x80xi32, #tpu.memory_space<vmem>> -> memref<80xi32, #tpu.memory_space<vmem>>
        %dma_wait3A_23 = arith.constant 0 : i32
        %dma_wait3A_24 = arith.constant 0 : i32
        %dma_wait3A_25 = tpu.memref_slice %arg8[%dma_wait3A_23, %dma_wait3A_24] : memref<10240x128xf32, #tpu.memory_space<vmem_shared>> -> memref<10240x128xf32, #tpu.memory_space<vmem_shared>>
        tpu.wait_indirect_dma semaphore(%run_scoped3A : memref<!tpu.dma_semaphore, #tpu.memory_space<semaphore_mem>>) src(%arg7 : memref<80x128xf32, #tpu.memory_space<vmem>>) dst(%dma_wait3A_25 : memref<10240x128xf32, #tpu.memory_space<vmem_shared>>)
        tpu.yield
      }) : () -> ()
    }
    %scan3A_9 = arith.constant 125 : i32
    %barrier3A_10 = arith.constant 0 : index
    tpu.barrier barrier_id(%barrier3A_10)
    %mul3A_11 = arith.constant 640 : i32
    %mul3A_12 = arith.muli %arg1, %mul3A_11 : i32
    %mul3A_13 = arith.constant 640 : i32
    %mul3A_14 = arith.muli %arg1, %mul3A_13 : i32
    "tpu.region"() ({
      %run_scoped3A = tpu.sem_alloc : memref<!tpu.dma_semaphore, #tpu.memory_space<semaphore_mem>>
      %dma_start3A = arith.constant 0 : i32
      %dma_start3A_15 = tpu.memref_slice %arg5[%arg0, %mul3A_14, %dma_start3A] : memref<2x10240x128xf32, #tpu.memory_space<hbm>> -> memref<1x640x128xf32, #tpu.memory_space<hbm>>
      %dma_start3A_16 = tpu.memref_squeeze %dma_start3A_15 : memref<1x640x128xf32, #tpu.memory_space<hbm>> -> memref<640x128xf32, #tpu.memory_space<hbm>>
      %dma_start3A_17 = arith.constant 0 : i32
      %dma_start3A_18 = tpu.memref_slice %arg8[%mul3A_12, %dma_start3A_17] : memref<10240x128xf32, #tpu.memory_space<vmem_shared>> -> memref<640x128xf32, #tpu.memory_space<vmem_shared>>
      tpu.enqueue_dma source(%dma_start3A_18 : memref<640x128xf32, #tpu.memory_space<vmem_shared>>) target(%dma_start3A_16 : memref<640x128xf32, #tpu.memory_space<hbm>>) target_semaphore(%run_scoped3A : memref<!tpu.dma_semaphore, #tpu.memory_space<semaphore_mem>>)
      %dma_wait3A = arith.constant 0 : i32
      %dma_wait3A_19 = tpu.memref_slice %arg5[%arg0, %mul3A_14, %dma_wait3A] : memref<2x10240x128xf32, #tpu.memory_space<hbm>> -> memref<1x640x128xf32, #tpu.memory_space<hbm>>
      %dma_wait3A_20 = tpu.memref_squeeze %dma_wait3A_19 : memref<1x640x128xf32, #tpu.memory_space<hbm>> -> memref<640x128xf32, #tpu.memory_space<hbm>>
      %dma_wait3A_21 = arith.constant 0 : i32
      %dma_wait3A_22 = tpu.memref_slice %arg8[%mul3A_12, %dma_wait3A_21] : memref<10240x128xf32, #tpu.memory_space<vmem_shared>> -> memref<640x128xf32, #tpu.memory_space<vmem_shared>>
      tpu.wait_dma2 semaphore(%run_scoped3A : memref<!tpu.dma_semaphore, #tpu.memory_space<semaphore_mem>>) src(%dma_wait3A_22 : memref<640x128xf32, #tpu.memory_space<vmem_shared>>) dst(%dma_wait3A_20 : memref<640x128xf32, #tpu.memory_space<hbm>>)
      tpu.yield
    }) : () -> ()
    return
  }
}

#map = affine_map<(d0, d1) -> (0, 0)>
#map1 = affine_map<(d0, d1) -> (0, 0, 0, 0, 0)>
#map2 = affine_map<(d0, d1) -> (0, 0, 0)>
module attributes {stable_mosaic.version = 14 : i64} {
  func.func @_scatter_kernel(%arg0: i32, %arg1: i32, %arg2: memref<10000x128xf32, #tpu.memory_space<hbm>>, %arg3: memref<32x5x2x25x80xi32, #tpu.memory_space<hbm>>, %arg4: memref<10240x128xf32, #tpu.memory_space<hbm>>, %arg5: memref<2x10240x128xf32, #tpu.memory_space<hbm>>, %arg6: memref<2x2x25x80xi32, #tpu.memory_space<vmem>>, %arg7: memref<80x128xf32, #tpu.memory_space<vmem>>, %arg8: memref<80x128xf32, #tpu.memory_space<vmem>>, %arg9: memref<80x128xf32, #tpu.memory_space<vmem>>, %arg10: memref<10240x128xf32, #tpu.memory_space<vmem_shared>>, %arg11: memref<!tpu.dma_semaphore, #tpu.memory_space<semaphore_mem>>, %arg12: memref<!tpu.dma_semaphore, #tpu.memory_space<semaphore_mem>>, %arg13: memref<!tpu.dma_semaphore, #tpu.memory_space<semaphore_mem>>) attributes {dimension_semantics = [#tpu.dimension_semantics<core_parallel>, #tpu.dimension_semantics<subcore_parallel>], iteration_bounds = array<i64: 2, 16>, scalar_prefetch = 0 : i64, scratch_operands = 8 : i64, tpu.core_type = #tpu.core_type<sc_vector_subcore>, window_params = [{transform_indices = #map}, {transform_indices = #map1}, {transform_indices = #map}, {transform_indices = #map2}]} {
    %mul3A = arith.constant 16 : i32
    %mul3A_0 = arith.muli %arg0, %mul3A : i32
    %add3A = arith.addi %mul3A_0, %arg1 : i32
    %mul3A_1 = arith.constant 640 : i32
    %mul3A_2 = arith.muli %arg1, %mul3A_1 : i32
    %mul3A_3 = arith.constant 640 : i32
    %mul3A_4 = arith.muli %arg1, %mul3A_3 : i32
    "tpu.region"() ({
      %run_scoped3A_33 = tpu.sem_alloc : memref<!tpu.dma_semaphore, #tpu.memory_space<semaphore_mem>>
      %dma_start3A_34 = arith.constant 0 : i32
      %dma_start3A_35 = tpu.memref_slice %arg10[%mul3A_4, %dma_start3A_34] : memref<10240x128xf32, #tpu.memory_space<vmem_shared>> -> memref<640x128xf32, #tpu.memory_space<vmem_shared>>
      %dma_start3A_36 = arith.constant 0 : i32
      %dma_start3A_37 = tpu.memref_slice %arg4[%mul3A_2, %dma_start3A_36] : memref<10240x128xf32, #tpu.memory_space<hbm>> -> memref<640x128xf32, #tpu.memory_space<hbm>>
      tpu.enqueue_dma source(%dma_start3A_37 : memref<640x128xf32, #tpu.memory_space<hbm>>) target(%dma_start3A_35 : memref<640x128xf32, #tpu.memory_space<vmem_shared>>) target_semaphore(%run_scoped3A_33 : memref<!tpu.dma_semaphore, #tpu.memory_space<semaphore_mem>>)
      %dma_wait3A = arith.constant 0 : i32
      %dma_wait3A_38 = tpu.memref_slice %arg10[%mul3A_4, %dma_wait3A] : memref<10240x128xf32, #tpu.memory_space<vmem_shared>> -> memref<640x128xf32, #tpu.memory_space<vmem_shared>>
      %dma_wait3A_39 = arith.constant 0 : i32
      %dma_wait3A_40 = tpu.memref_slice %arg4[%mul3A_2, %dma_wait3A_39] : memref<10240x128xf32, #tpu.memory_space<hbm>> -> memref<640x128xf32, #tpu.memory_space<hbm>>
      tpu.wait_dma2 semaphore(%run_scoped3A_33 : memref<!tpu.dma_semaphore, #tpu.memory_space<semaphore_mem>>) src(%dma_wait3A_40 : memref<640x128xf32, #tpu.memory_space<hbm>>) dst(%dma_wait3A_38 : memref<640x128xf32, #tpu.memory_space<vmem_shared>>)
      tpu.yield
    }) : () -> ()
    %run_scoped3A = arith.constant 0 : i32
    %run_scoped3A_5 = arith.constant 0 : i32
    "tpu.region"() ({
      %run_scoped3A_33 = tpu.sem_alloc : memref<!tpu.dma_semaphore, #tpu.memory_space<semaphore_mem>>
      %dma_start3A_34 = arith.constant 0 : i32
      %dma_start3A_35 = arith.constant 0 : i32
      %dma_start3A_36 = arith.constant 0 : i32
      %dma_start3A_37 = tpu.memref_slice %arg6[%run_scoped3A_5, %dma_start3A_34, %dma_start3A_35, %dma_start3A_36] : memref<2x2x25x80xi32, #tpu.memory_space<vmem>> -> memref<1x2x25x80xi32, #tpu.memory_space<vmem>>
      %dma_start3A_38 = tpu.memref_squeeze %dma_start3A_37 : memref<1x2x25x80xi32, #tpu.memory_space<vmem>> -> memref<2x25x80xi32, #tpu.memory_space<vmem>>
      %dma_start3A_39 = arith.constant 0 : i32
      %dma_start3A_40 = arith.constant 0 : i32
      %dma_start3A_41 = arith.constant 0 : i32
      %dma_start3A_42 = tpu.memref_slice %arg3[%add3A, %run_scoped3A, %dma_start3A_39, %dma_start3A_40, %dma_start3A_41] : memref<32x5x2x25x80xi32, #tpu.memory_space<hbm>> -> memref<1x1x2x25x80xi32, #tpu.memory_space<hbm>>
      %dma_start3A_43 = tpu.memref_squeeze %dma_start3A_42 : memref<1x1x2x25x80xi32, #tpu.memory_space<hbm>> -> memref<2x25x80xi32, #tpu.memory_space<hbm>>
      %dma_start3A_44 = arith.constant 0 : i32
      %dma_start3A_45 = arith.constant 0 : i32
      %dma_start3A_46 = arith.constant 0 : i32
      %dma_start3A_47 = tpu.memref_slice %arg6[%run_scoped3A_5, %dma_start3A_44, %dma_start3A_45, %dma_start3A_46] : memref<2x2x25x80xi32, #tpu.memory_space<vmem>> -> memref<1x2x25x80xi32, #tpu.memory_space<vmem>>
      %dma_start3A_48 = tpu.memref_squeeze %dma_start3A_47 : memref<1x2x25x80xi32, #tpu.memory_space<vmem>> -> memref<2x25x80xi32, #tpu.memory_space<vmem>>
      %dma_start3A_49 = arith.constant 0 : i32
      %dma_start3A_50 = arith.constant 0 : i32
      %dma_start3A_51 = arith.constant 0 : i32
      %dma_start3A_52 = tpu.memref_slice %arg3[%add3A, %run_scoped3A, %dma_start3A_49, %dma_start3A_50, %dma_start3A_51] : memref<32x5x2x25x80xi32, #tpu.memory_space<hbm>> -> memref<1x1x2x25x80xi32, #tpu.memory_space<hbm>>
      %dma_start3A_53 = tpu.memref_squeeze %dma_start3A_52 : memref<1x1x2x25x80xi32, #tpu.memory_space<hbm>> -> memref<2x25x80xi32, #tpu.memory_space<hbm>>
      tpu.enqueue_dma source(%dma_start3A_53 : memref<2x25x80xi32, #tpu.memory_space<hbm>>) target(%dma_start3A_48 : memref<2x25x80xi32, #tpu.memory_space<vmem>>) target_semaphore(%run_scoped3A_33 : memref<!tpu.dma_semaphore, #tpu.memory_space<semaphore_mem>>)
      %dma_wait3A = arith.constant 0 : i32
      %dma_wait3A_54 = arith.constant 0 : i32
      %dma_wait3A_55 = arith.constant 0 : i32
      %dma_wait3A_56 = tpu.memref_slice %arg6[%run_scoped3A_5, %dma_wait3A, %dma_wait3A_54, %dma_wait3A_55] : memref<2x2x25x80xi32, #tpu.memory_space<vmem>> -> memref<1x2x25x80xi32, #tpu.memory_space<vmem>>
      %dma_wait3A_57 = tpu.memref_squeeze %dma_wait3A_56 : memref<1x2x25x80xi32, #tpu.memory_space<vmem>> -> memref<2x25x80xi32, #tpu.memory_space<vmem>>
      %dma_wait3A_58 = arith.constant 0 : i32
      %dma_wait3A_59 = arith.constant 0 : i32
      %dma_wait3A_60 = arith.constant 0 : i32
      %dma_wait3A_61 = tpu.memref_slice %arg3[%add3A, %run_scoped3A, %dma_wait3A_58, %dma_wait3A_59, %dma_wait3A_60] : memref<32x5x2x25x80xi32, #tpu.memory_space<hbm>> -> memref<1x1x2x25x80xi32, #tpu.memory_space<hbm>>
      %dma_wait3A_62 = tpu.memref_squeeze %dma_wait3A_61 : memref<1x1x2x25x80xi32, #tpu.memory_space<hbm>> -> memref<2x25x80xi32, #tpu.memory_space<hbm>>
      %dma_wait3A_63 = arith.constant 0 : i32
      %dma_wait3A_64 = arith.constant 0 : i32
      %dma_wait3A_65 = arith.constant 0 : i32
      %dma_wait3A_66 = tpu.memref_slice %arg6[%run_scoped3A_5, %dma_wait3A_63, %dma_wait3A_64, %dma_wait3A_65] : memref<2x2x25x80xi32, #tpu.memory_space<vmem>> -> memref<1x2x25x80xi32, #tpu.memory_space<vmem>>
      %dma_wait3A_67 = tpu.memref_squeeze %dma_wait3A_66 : memref<1x2x25x80xi32, #tpu.memory_space<vmem>> -> memref<2x25x80xi32, #tpu.memory_space<vmem>>
      %dma_wait3A_68 = arith.constant 0 : i32
      %dma_wait3A_69 = arith.constant 0 : i32
      %dma_wait3A_70 = arith.constant 0 : i32
      %dma_wait3A_71 = tpu.memref_slice %arg3[%add3A, %run_scoped3A, %dma_wait3A_68, %dma_wait3A_69, %dma_wait3A_70] : memref<32x5x2x25x80xi32, #tpu.memory_space<hbm>> -> memref<1x1x2x25x80xi32, #tpu.memory_space<hbm>>
      %dma_wait3A_72 = tpu.memref_squeeze %dma_wait3A_71 : memref<1x1x2x25x80xi32, #tpu.memory_space<hbm>> -> memref<2x25x80xi32, #tpu.memory_space<hbm>>
      tpu.wait_dma2 semaphore(%run_scoped3A_33 : memref<!tpu.dma_semaphore, #tpu.memory_space<semaphore_mem>>) src(%dma_wait3A_72 : memref<2x25x80xi32, #tpu.memory_space<hbm>>) dst(%dma_wait3A_67 : memref<2x25x80xi32, #tpu.memory_space<vmem>>)
      tpu.yield
    }) : () -> ()
    %barrier3A = arith.constant 0 : index
    tpu.barrier barrier_id(%barrier3A)
    %dma_start3A = arith.constant 0 : i32
    %dma_start3A_6 = arith.constant 0 : i32
    %dma_start3A_7 = arith.constant 0 : i32
    %dma_start3A_8 = arith.constant 0 : i32
    %dma_start3A_9 = tpu.memref_slice %arg6[%dma_start3A, %dma_start3A_6, %dma_start3A_7, %dma_start3A_8] : memref<2x2x25x80xi32, #tpu.memory_space<vmem>> -> memref<1x1x1x80xi32, #tpu.memory_space<vmem>>
    %dma_start3A_10 = tpu.memref_squeeze %dma_start3A_9 : memref<1x1x1x80xi32, #tpu.memory_space<vmem>> -> memref<80xi32, #tpu.memory_space<vmem>>
    %dma_start3A_11 = arith.constant 0 : i32
    %dma_start3A_12 = arith.constant 0 : i32
    %dma_start3A_13 = tpu.memref_slice %arg2[%dma_start3A_11, %dma_start3A_12] : memref<10000x128xf32, #tpu.memory_space<hbm>> -> memref<10000x128xf32, #tpu.memory_space<hbm>>
    tpu.enqueue_indirect_dma source(%dma_start3A_13 : memref<10000x128xf32, #tpu.memory_space<hbm>>) target(%arg7 : memref<80x128xf32, #tpu.memory_space<vmem>>) offsets(%dma_start3A_10 : memref<80xi32, #tpu.memory_space<vmem>>) semaphore(%arg11 : memref<!tpu.dma_semaphore, #tpu.memory_space<semaphore_mem>>)
    %dma_start3A_14 = arith.constant 0 : i32
    %dma_start3A_15 = arith.constant 0 : i32
    %dma_start3A_16 = arith.constant 1 : i32
    %dma_start3A_17 = arith.constant 0 : i32
    %dma_start3A_18 = tpu.memref_slice %arg6[%dma_start3A_14, %dma_start3A_15, %dma_start3A_16, %dma_start3A_17] : memref<2x2x25x80xi32, #tpu.memory_space<vmem>> -> memref<1x1x1x80xi32, #tpu.memory_space<vmem>>
    %dma_start3A_19 = tpu.memref_squeeze %dma_start3A_18 : memref<1x1x1x80xi32, #tpu.memory_space<vmem>> -> memref<80xi32, #tpu.memory_space<vmem>>
    %dma_start3A_20 = arith.constant 0 : i32
    %dma_start3A_21 = arith.constant 0 : i32
    %dma_start3A_22 = tpu.memref_slice %arg2[%dma_start3A_20, %dma_start3A_21] : memref<10000x128xf32, #tpu.memory_space<hbm>> -> memref<10000x128xf32, #tpu.memory_space<hbm>>
    tpu.enqueue_indirect_dma source(%dma_start3A_22 : memref<10000x128xf32, #tpu.memory_space<hbm>>) target(%arg8 : memref<80x128xf32, #tpu.memory_space<vmem>>) offsets(%dma_start3A_19 : memref<80xi32, #tpu.memory_space<vmem>>) semaphore(%arg12 : memref<!tpu.dma_semaphore, #tpu.memory_space<semaphore_mem>>)
    %scan3A = arith.constant 0 : i32
    %scan3A_23 = arith.constant 0 : i32
    %scan3A_24 = arith.constant 125 : i32
    %scan3A_25 = arith.addi %scan3A_23, %scan3A_24 : i32
    %scan3A_26 = arith.constant 1 : i32
    scf.for %scan3A_33 = %scan3A_23 to %scan3A_25 step %scan3A_26  : i32 {
      %jit3A = arith.constant 25 : i32
      %div3A = arith.divsi %scan3A_33, %jit3A : i32
      %sign3A = arith.constant 0 : i32
      %sign3A_34 = arith.cmpi sgt, %scan3A_33, %sign3A : i32
      %sign3A_35 = arith.extui %sign3A_34 : i1 to i32
      %sign3A_36 = arith.constant 0 : i32
      %sign3A_37 = arith.cmpi slt, %scan3A_33, %sign3A_36 : i32
      %sign3A_38 = arith.extui %sign3A_37 : i1 to i32
      %sign3A_39 = arith.subi %sign3A_35, %sign3A_38 : i32
      %sign3A_40 = arith.constant 0 : i32
      %sign3A_41 = arith.cmpi sgt, %jit3A, %sign3A_40 : i32
      %sign3A_42 = arith.extui %sign3A_41 : i1 to i32
      %sign3A_43 = arith.constant 0 : i32
      %sign3A_44 = arith.cmpi slt, %jit3A, %sign3A_43 : i32
      %sign3A_45 = arith.extui %sign3A_44 : i1 to i32
      %sign3A_46 = arith.subi %sign3A_42, %sign3A_45 : i32
      %ne3A = arith.cmpi ne, %sign3A_39, %sign3A_46 : i32
      %rem3A = arith.remsi %scan3A_33, %jit3A : i32
      %ne3A_47 = arith.constant 0 : i32
      %ne3A_48 = arith.cmpi ne, %rem3A, %ne3A_47 : i32
      %and3A = arith.andi %ne3A, %ne3A_48 : i1
      %sub3A = arith.constant 1 : i32
      %sub3A_49 = arith.subi %div3A, %sub3A : i32
      %select_n3A = arith.select %and3A, %sub3A_49, %div3A : i32
      %jit3A_50 = arith.constant 25 : i32
      %eq3A = arith.constant 0 : i32
      %eq3A_51 = arith.cmpi eq, %jit3A_50, %eq3A : i32
      %jit3A_52 = arith.constant 1 : i32
      %select_n3A_53 = arith.select %eq3A_51, %jit3A_52, %jit3A_50 : i32
      %rem3A_54 = arith.remsi %scan3A_33, %select_n3A_53 : i32
      %ne3A_55 = arith.constant 0 : i32
      %ne3A_56 = arith.cmpi ne, %rem3A_54, %ne3A_55 : i32
      %lt3A = arith.constant 0 : i32
      %lt3A_57 = arith.cmpi slt, %rem3A_54, %lt3A : i32
      %lt3A_58 = arith.constant 0 : i32
      %lt3A_59 = arith.cmpi slt, %select_n3A_53, %lt3A_58 : i32
      %ne3A_60 = arith.xori %lt3A_57, %lt3A_59 : i1
      %and3A_61 = arith.andi %ne3A_60, %ne3A_56 : i1
      %add3A_62 = arith.addi %rem3A_54, %select_n3A_53 : i32
      %select_n3A_63 = arith.select %and3A_61, %add3A_62, %rem3A_54 : i32
      %eq3A_64 = arith.constant 0 : i32
      %eq3A_65 = arith.cmpi eq, %select_n3A_63, %eq3A_64 : i32
      %add3A_66 = arith.constant 1 : i32
      %add3A_67 = arith.addi %select_n3A, %add3A_66 : i32
      %lt3A_68 = arith.constant 5 : i32
      %lt3A_69 = arith.cmpi slt, %add3A_67, %lt3A_68 : i32
      %and3A_70 = arith.andi %eq3A_65, %lt3A_69 : i1
      %convert_element_type3A = arith.extui %and3A_70 : i1 to i32
      %cond3A = arith.constant 0 : i32
      %cond3A_71 = arith.cmpi ne, %convert_element_type3A, %cond3A : i32
      scf.if %cond3A_71 {
        %add3A_177 = arith.constant 1 : i32
        %add3A_178 = arith.addi %select_n3A, %add3A_177 : i32
        %add3A_179 = arith.constant 1 : i32
        %add3A_180 = arith.addi %select_n3A, %add3A_179 : i32
        %jit3A_181 = arith.constant 2 : i32
        %eq3A_182 = arith.constant 0 : i32
        %eq3A_183 = arith.cmpi eq, %jit3A_181, %eq3A_182 : i32
        %jit3A_184 = arith.constant 1 : i32
        %select_n3A_185 = arith.select %eq3A_183, %jit3A_184, %jit3A_181 : i32
        %rem3A_186 = arith.remsi %add3A_180, %select_n3A_185 : i32
        %ne3A_187 = arith.constant 0 : i32
        %ne3A_188 = arith.cmpi ne, %rem3A_186, %ne3A_187 : i32
        %lt3A_189 = arith.constant 0 : i32
        %lt3A_190 = arith.cmpi slt, %rem3A_186, %lt3A_189 : i32
        %lt3A_191 = arith.constant 0 : i32
        %lt3A_192 = arith.cmpi slt, %select_n3A_185, %lt3A_191 : i32
        %ne3A_193 = arith.xori %lt3A_190, %lt3A_192 : i1
        %and3A_194 = arith.andi %ne3A_193, %ne3A_188 : i1
        %add3A_195 = arith.addi %rem3A_186, %select_n3A_185 : i32
        %select_n3A_196 = arith.select %and3A_194, %add3A_195, %rem3A_186 : i32
        "tpu.region"() ({
          %run_scoped3A_197 = tpu.sem_alloc : memref<!tpu.dma_semaphore, #tpu.memory_space<semaphore_mem>>
          %dma_start3A_198 = arith.constant 0 : i32
          %dma_start3A_199 = arith.constant 0 : i32
          %dma_start3A_200 = arith.constant 0 : i32
          %dma_start3A_201 = tpu.memref_slice %arg6[%select_n3A_196, %dma_start3A_198, %dma_start3A_199, %dma_start3A_200] : memref<2x2x25x80xi32, #tpu.memory_space<vmem>> -> memref<1x2x25x80xi32, #tpu.memory_space<vmem>>
          %dma_start3A_202 = tpu.memref_squeeze %dma_start3A_201 : memref<1x2x25x80xi32, #tpu.memory_space<vmem>> -> memref<2x25x80xi32, #tpu.memory_space<vmem>>
          %dma_start3A_203 = arith.constant 0 : i32
          %dma_start3A_204 = arith.constant 0 : i32
          %dma_start3A_205 = arith.constant 0 : i32
          %dma_start3A_206 = tpu.memref_slice %arg3[%add3A, %add3A_178, %dma_start3A_203, %dma_start3A_204, %dma_start3A_205] : memref<32x5x2x25x80xi32, #tpu.memory_space<hbm>> -> memref<1x1x2x25x80xi32, #tpu.memory_space<hbm>>
          %dma_start3A_207 = tpu.memref_squeeze %dma_start3A_206 : memref<1x1x2x25x80xi32, #tpu.memory_space<hbm>> -> memref<2x25x80xi32, #tpu.memory_space<hbm>>
          %dma_start3A_208 = arith.constant 0 : i32
          %dma_start3A_209 = arith.constant 0 : i32
          %dma_start3A_210 = arith.constant 0 : i32
          %dma_start3A_211 = tpu.memref_slice %arg6[%select_n3A_196, %dma_start3A_208, %dma_start3A_209, %dma_start3A_210] : memref<2x2x25x80xi32, #tpu.memory_space<vmem>> -> memref<1x2x25x80xi32, #tpu.memory_space<vmem>>
          %dma_start3A_212 = tpu.memref_squeeze %dma_start3A_211 : memref<1x2x25x80xi32, #tpu.memory_space<vmem>> -> memref<2x25x80xi32, #tpu.memory_space<vmem>>
          %dma_start3A_213 = arith.constant 0 : i32
          %dma_start3A_214 = arith.constant 0 : i32
          %dma_start3A_215 = arith.constant 0 : i32
          %dma_start3A_216 = tpu.memref_slice %arg3[%add3A, %add3A_178, %dma_start3A_213, %dma_start3A_214, %dma_start3A_215] : memref<32x5x2x25x80xi32, #tpu.memory_space<hbm>> -> memref<1x1x2x25x80xi32, #tpu.memory_space<hbm>>
          %dma_start3A_217 = tpu.memref_squeeze %dma_start3A_216 : memref<1x1x2x25x80xi32, #tpu.memory_space<hbm>> -> memref<2x25x80xi32, #tpu.memory_space<hbm>>
          tpu.enqueue_dma source(%dma_start3A_217 : memref<2x25x80xi32, #tpu.memory_space<hbm>>) target(%dma_start3A_212 : memref<2x25x80xi32, #tpu.memory_space<vmem>>) target_semaphore(%run_scoped3A_197 : memref<!tpu.dma_semaphore, #tpu.memory_space<semaphore_mem>>)
          %dma_wait3A = arith.constant 0 : i32
          %dma_wait3A_218 = arith.constant 0 : i32
          %dma_wait3A_219 = arith.constant 0 : i32
          %dma_wait3A_220 = tpu.memref_slice %arg6[%select_n3A_196, %dma_wait3A, %dma_wait3A_218, %dma_wait3A_219] : memref<2x2x25x80xi32, #tpu.memory_space<vmem>> -> memref<1x2x25x80xi32, #tpu.memory_space<vmem>>
          %dma_wait3A_221 = tpu.memref_squeeze %dma_wait3A_220 : memref<1x2x25x80xi32, #tpu.memory_space<vmem>> -> memref<2x25x80xi32, #tpu.memory_space<vmem>>
          %dma_wait3A_222 = arith.constant 0 : i32
          %dma_wait3A_223 = arith.constant 0 : i32
          %dma_wait3A_224 = arith.constant 0 : i32
          %dma_wait3A_225 = tpu.memref_slice %arg3[%add3A, %add3A_178, %dma_wait3A_222, %dma_wait3A_223, %dma_wait3A_224] : memref<32x5x2x25x80xi32, #tpu.memory_space<hbm>> -> memref<1x1x2x25x80xi32, #tpu.memory_space<hbm>>
          %dma_wait3A_226 = tpu.memref_squeeze %dma_wait3A_225 : memref<1x1x2x25x80xi32, #tpu.memory_space<hbm>> -> memref<2x25x80xi32, #tpu.memory_space<hbm>>
          %dma_wait3A_227 = arith.constant 0 : i32
          %dma_wait3A_228 = arith.constant 0 : i32
          %dma_wait3A_229 = arith.constant 0 : i32
          %dma_wait3A_230 = tpu.memref_slice %arg6[%select_n3A_196, %dma_wait3A_227, %dma_wait3A_228, %dma_wait3A_229] : memref<2x2x25x80xi32, #tpu.memory_space<vmem>> -> memref<1x2x25x80xi32, #tpu.memory_space<vmem>>
          %dma_wait3A_231 = tpu.memref_squeeze %dma_wait3A_230 : memref<1x2x25x80xi32, #tpu.memory_space<vmem>> -> memref<2x25x80xi32, #tpu.memory_space<vmem>>
          %dma_wait3A_232 = arith.constant 0 : i32
          %dma_wait3A_233 = arith.constant 0 : i32
          %dma_wait3A_234 = arith.constant 0 : i32
          %dma_wait3A_235 = tpu.memref_slice %arg3[%add3A, %add3A_178, %dma_wait3A_232, %dma_wait3A_233, %dma_wait3A_234] : memref<32x5x2x25x80xi32, #tpu.memory_space<hbm>> -> memref<1x1x2x25x80xi32, #tpu.memory_space<hbm>>
          %dma_wait3A_236 = tpu.memref_squeeze %dma_wait3A_235 : memref<1x1x2x25x80xi32, #tpu.memory_space<hbm>> -> memref<2x25x80xi32, #tpu.memory_space<hbm>>
          tpu.wait_dma2 semaphore(%run_scoped3A_197 : memref<!tpu.dma_semaphore, #tpu.memory_space<semaphore_mem>>) src(%dma_wait3A_236 : memref<2x25x80xi32, #tpu.memory_space<hbm>>) dst(%dma_wait3A_231 : memref<2x25x80xi32, #tpu.memory_space<vmem>>)
          tpu.yield
        }) : () -> ()
      } else {
      }
      %add3A_72 = arith.constant 2 : i32
      %add3A_73 = arith.addi %scan3A_33, %add3A_72 : i32
      %jit3A_74 = arith.constant 25 : i32
      %div3A_75 = arith.divsi %add3A_73, %jit3A_74 : i32
      %sign3A_76 = arith.constant 0 : i32
      %sign3A_77 = arith.cmpi sgt, %add3A_73, %sign3A_76 : i32
      %sign3A_78 = arith.extui %sign3A_77 : i1 to i32
      %sign3A_79 = arith.constant 0 : i32
      %sign3A_80 = arith.cmpi slt, %add3A_73, %sign3A_79 : i32
      %sign3A_81 = arith.extui %sign3A_80 : i1 to i32
      %sign3A_82 = arith.subi %sign3A_78, %sign3A_81 : i32
      %sign3A_83 = arith.constant 0 : i32
      %sign3A_84 = arith.cmpi sgt, %jit3A_74, %sign3A_83 : i32
      %sign3A_85 = arith.extui %sign3A_84 : i1 to i32
      %sign3A_86 = arith.constant 0 : i32
      %sign3A_87 = arith.cmpi slt, %jit3A_74, %sign3A_86 : i32
      %sign3A_88 = arith.extui %sign3A_87 : i1 to i32
      %sign3A_89 = arith.subi %sign3A_85, %sign3A_88 : i32
      %ne3A_90 = arith.cmpi ne, %sign3A_82, %sign3A_89 : i32
      %rem3A_91 = arith.remsi %add3A_73, %jit3A_74 : i32
      %ne3A_92 = arith.constant 0 : i32
      %ne3A_93 = arith.cmpi ne, %rem3A_91, %ne3A_92 : i32
      %and3A_94 = arith.andi %ne3A_90, %ne3A_93 : i1
      %sub3A_95 = arith.constant 1 : i32
      %sub3A_96 = arith.subi %div3A_75, %sub3A_95 : i32
      %select_n3A_97 = arith.select %and3A_94, %sub3A_96, %div3A_75 : i32
      %jit3A_98 = arith.constant 25 : i32
      %eq3A_99 = arith.constant 0 : i32
      %eq3A_100 = arith.cmpi eq, %jit3A_98, %eq3A_99 : i32
      %jit3A_101 = arith.constant 1 : i32
      %select_n3A_102 = arith.select %eq3A_100, %jit3A_101, %jit3A_98 : i32
      %rem3A_103 = arith.remsi %add3A_73, %select_n3A_102 : i32
      %ne3A_104 = arith.constant 0 : i32
      %ne3A_105 = arith.cmpi ne, %rem3A_103, %ne3A_104 : i32
      %lt3A_106 = arith.constant 0 : i32
      %lt3A_107 = arith.cmpi slt, %rem3A_103, %lt3A_106 : i32
      %lt3A_108 = arith.constant 0 : i32
      %lt3A_109 = arith.cmpi slt, %select_n3A_102, %lt3A_108 : i32
      %ne3A_110 = arith.xori %lt3A_107, %lt3A_109 : i1
      %and3A_111 = arith.andi %ne3A_110, %ne3A_105 : i1
      %add3A_112 = arith.addi %rem3A_103, %select_n3A_102 : i32
      %select_n3A_113 = arith.select %and3A_111, %add3A_112, %rem3A_103 : i32
      %jit3A_114 = arith.constant 3 : i32
      %eq3A_115 = arith.constant 0 : i32
      %eq3A_116 = arith.cmpi eq, %jit3A_114, %eq3A_115 : i32
      %jit3A_117 = arith.constant 1 : i32
      %select_n3A_118 = arith.select %eq3A_116, %jit3A_117, %jit3A_114 : i32
      %rem3A_119 = arith.remsi %scan3A_33, %select_n3A_118 : i32
      %ne3A_120 = arith.constant 0 : i32
      %ne3A_121 = arith.cmpi ne, %rem3A_119, %ne3A_120 : i32
      %lt3A_122 = arith.constant 0 : i32
      %lt3A_123 = arith.cmpi slt, %rem3A_119, %lt3A_122 : i32
      %lt3A_124 = arith.constant 0 : i32
      %lt3A_125 = arith.cmpi slt, %select_n3A_118, %lt3A_124 : i32
      %ne3A_126 = arith.xori %lt3A_123, %lt3A_125 : i1
      %and3A_127 = arith.andi %ne3A_126, %ne3A_121 : i1
      %add3A_128 = arith.addi %rem3A_119, %select_n3A_118 : i32
      %select_n3A_129 = arith.select %and3A_127, %add3A_128, %rem3A_119 : i32
      %eq3A_130 = arith.constant 0 : i32
      %eq3A_131 = arith.cmpi eq, %select_n3A_129, %eq3A_130 : i32
      %convert_element_type3A_132 = arith.extui %eq3A_131 : i1 to i32
      %cond3A_133 = arith.constant 0 : i32
      %cond3A_134 = arith.cmpi ne, %convert_element_type3A_132, %cond3A_133 : i32
      scf.if %cond3A_134 {
        %jit3A_177 = arith.constant 2 : i32
        %eq3A_178 = arith.constant 0 : i32
        %eq3A_179 = arith.cmpi eq, %jit3A_177, %eq3A_178 : i32
        %jit3A_180 = arith.constant 1 : i32
        %select_n3A_181 = arith.select %eq3A_179, %jit3A_180, %jit3A_177 : i32
        %rem3A_182 = arith.remsi %select_n3A, %select_n3A_181 : i32
        %ne3A_183 = arith.constant 0 : i32
        %ne3A_184 = arith.cmpi ne, %rem3A_182, %ne3A_183 : i32
        %lt3A_185 = arith.constant 0 : i32
        %lt3A_186 = arith.cmpi slt, %rem3A_182, %lt3A_185 : i32
        %lt3A_187 = arith.constant 0 : i32
        %lt3A_188 = arith.cmpi slt, %select_n3A_181, %lt3A_187 : i32
        %ne3A_189 = arith.xori %lt3A_186, %lt3A_188 : i1
        %and3A_190 = arith.andi %ne3A_189, %ne3A_184 : i1
        %add3A_191 = arith.addi %rem3A_182, %select_n3A_181 : i32
        %select_n3A_192 = arith.select %and3A_190, %add3A_191, %rem3A_182 : i32
        %dma_wait3A = arith.constant 0 : i32
        %dma_wait3A_193 = arith.constant 0 : i32
        %dma_wait3A_194 = tpu.memref_slice %arg6[%select_n3A_192, %dma_wait3A, %select_n3A_63, %dma_wait3A_193] : memref<2x2x25x80xi32, #tpu.memory_space<vmem>> -> memref<1x1x1x80xi32, #tpu.memory_space<vmem>>
        %dma_wait3A_195 = tpu.memref_squeeze %dma_wait3A_194 : memref<1x1x1x80xi32, #tpu.memory_space<vmem>> -> memref<80xi32, #tpu.memory_space<vmem>>
        %dma_wait3A_196 = arith.constant 0 : i32
        %dma_wait3A_197 = arith.constant 0 : i32
        %dma_wait3A_198 = tpu.memref_slice %arg2[%dma_wait3A_196, %dma_wait3A_197] : memref<10000x128xf32, #tpu.memory_space<hbm>> -> memref<10000x128xf32, #tpu.memory_space<hbm>>
        tpu.wait_indirect_dma semaphore(%arg11 : memref<!tpu.dma_semaphore, #tpu.memory_space<semaphore_mem>>) src(%dma_wait3A_198 : memref<10000x128xf32, #tpu.memory_space<hbm>>) dst(%arg7 : memref<80x128xf32, #tpu.memory_space<vmem>>)
        %lt3A_199 = arith.constant 125 : i32
        %lt3A_200 = arith.cmpi slt, %add3A_73, %lt3A_199 : i32
        %convert_element_type3A_201 = arith.extui %lt3A_200 : i1 to i32
        %cond3A_202 = arith.constant 0 : i32
        %cond3A_203 = arith.cmpi ne, %convert_element_type3A_201, %cond3A_202 : i32
        scf.if %cond3A_203 {
          %jit3A_221 = arith.constant 2 : i32
          %eq3A_222 = arith.constant 0 : i32
          %eq3A_223 = arith.cmpi eq, %jit3A_221, %eq3A_222 : i32
          %jit3A_224 = arith.constant 1 : i32
          %select_n3A_225 = arith.select %eq3A_223, %jit3A_224, %jit3A_221 : i32
          %rem3A_226 = arith.remsi %select_n3A_97, %select_n3A_225 : i32
          %ne3A_227 = arith.constant 0 : i32
          %ne3A_228 = arith.cmpi ne, %rem3A_226, %ne3A_227 : i32
          %lt3A_229 = arith.constant 0 : i32
          %lt3A_230 = arith.cmpi slt, %rem3A_226, %lt3A_229 : i32
          %lt3A_231 = arith.constant 0 : i32
          %lt3A_232 = arith.cmpi slt, %select_n3A_225, %lt3A_231 : i32
          %ne3A_233 = arith.xori %lt3A_230, %lt3A_232 : i1
          %and3A_234 = arith.andi %ne3A_233, %ne3A_228 : i1
          %add3A_235 = arith.addi %rem3A_226, %select_n3A_225 : i32
          %select_n3A_236 = arith.select %and3A_234, %add3A_235, %rem3A_226 : i32
          %dma_start3A_237 = arith.constant 0 : i32
          %dma_start3A_238 = arith.constant 0 : i32
          %dma_start3A_239 = tpu.memref_slice %arg6[%select_n3A_236, %dma_start3A_237, %select_n3A_113, %dma_start3A_238] : memref<2x2x25x80xi32, #tpu.memory_space<vmem>> -> memref<1x1x1x80xi32, #tpu.memory_space<vmem>>
          %dma_start3A_240 = tpu.memref_squeeze %dma_start3A_239 : memref<1x1x1x80xi32, #tpu.memory_space<vmem>> -> memref<80xi32, #tpu.memory_space<vmem>>
          %dma_start3A_241 = arith.constant 0 : i32
          %dma_start3A_242 = arith.constant 0 : i32
          %dma_start3A_243 = tpu.memref_slice %arg2[%dma_start3A_241, %dma_start3A_242] : memref<10000x128xf32, #tpu.memory_space<hbm>> -> memref<10000x128xf32, #tpu.memory_space<hbm>>
          tpu.enqueue_indirect_dma source(%dma_start3A_243 : memref<10000x128xf32, #tpu.memory_space<hbm>>) target(%arg9 : memref<80x128xf32, #tpu.memory_space<vmem>>) offsets(%dma_start3A_240 : memref<80xi32, #tpu.memory_space<vmem>>) semaphore(%arg13 : memref<!tpu.dma_semaphore, #tpu.memory_space<semaphore_mem>>)
        } else {
        }
        %jit3A_204 = arith.constant 2 : i32
        %eq3A_205 = arith.constant 0 : i32
        %eq3A_206 = arith.cmpi eq, %jit3A_204, %eq3A_205 : i32
        %jit3A_207 = arith.constant 1 : i32
        %select_n3A_208 = arith.select %eq3A_206, %jit3A_207, %jit3A_204 : i32
        %rem3A_209 = arith.remsi %select_n3A, %select_n3A_208 : i32
        %ne3A_210 = arith.constant 0 : i32
        %ne3A_211 = arith.cmpi ne, %rem3A_209, %ne3A_210 : i32
        %lt3A_212 = arith.constant 0 : i32
        %lt3A_213 = arith.cmpi slt, %rem3A_209, %lt3A_212 : i32
        %lt3A_214 = arith.constant 0 : i32
        %lt3A_215 = arith.cmpi slt, %select_n3A_208, %lt3A_214 : i32
        %ne3A_216 = arith.xori %lt3A_213, %lt3A_215 : i1
        %and3A_217 = arith.andi %ne3A_216, %ne3A_211 : i1
        %add3A_218 = arith.addi %rem3A_209, %select_n3A_208 : i32
        %select_n3A_219 = arith.select %and3A_217, %add3A_218, %rem3A_209 : i32
        %run_scoped3A_220 = arith.constant 1 : i32
        "tpu.region"() ({
          %run_scoped3A_221 = tpu.sem_alloc : memref<!tpu.dma_semaphore, #tpu.memory_space<semaphore_mem>>
          %dma_start3A_222 = arith.constant 0 : i32
          %dma_start3A_223 = tpu.memref_slice %arg6[%select_n3A_219, %run_scoped3A_220, %select_n3A_63, %dma_start3A_222] : memref<2x2x25x80xi32, #tpu.memory_space<vmem>> -> memref<1x1x1x80xi32, #tpu.memory_space<vmem>>
          %dma_start3A_224 = tpu.memref_squeeze %dma_start3A_223 : memref<1x1x1x80xi32, #tpu.memory_space<vmem>> -> memref<80xi32, #tpu.memory_space<vmem>>
          %dma_start3A_225 = arith.constant 0 : i32
          %dma_start3A_226 = arith.constant 0 : i32
          %dma_start3A_227 = tpu.memref_slice %arg10[%dma_start3A_225, %dma_start3A_226] : memref<10240x128xf32, #tpu.memory_space<vmem_shared>> -> memref<10240x128xf32, #tpu.memory_space<vmem_shared>>
          tpu.enqueue_indirect_dma source(%arg7 : memref<80x128xf32, #tpu.memory_space<vmem>>) target(%dma_start3A_227 : memref<10240x128xf32, #tpu.memory_space<vmem_shared>>) offsets(%dma_start3A_224 : memref<80xi32, #tpu.memory_space<vmem>>) semaphore(%run_scoped3A_221 : memref<!tpu.dma_semaphore, #tpu.memory_space<semaphore_mem>>) {add = true}
          %dma_wait3A_228 = arith.constant 0 : i32
          %dma_wait3A_229 = tpu.memref_slice %arg6[%select_n3A_219, %run_scoped3A_220, %select_n3A_63, %dma_wait3A_228] : memref<2x2x25x80xi32, #tpu.memory_space<vmem>> -> memref<1x1x1x80xi32, #tpu.memory_space<vmem>>
          %dma_wait3A_230 = tpu.memref_squeeze %dma_wait3A_229 : memref<1x1x1x80xi32, #tpu.memory_space<vmem>> -> memref<80xi32, #tpu.memory_space<vmem>>
          %dma_wait3A_231 = arith.constant 0 : i32
          %dma_wait3A_232 = arith.constant 0 : i32
          %dma_wait3A_233 = tpu.memref_slice %arg10[%dma_wait3A_231, %dma_wait3A_232] : memref<10240x128xf32, #tpu.memory_space<vmem_shared>> -> memref<10240x128xf32, #tpu.memory_space<vmem_shared>>
          tpu.wait_indirect_dma semaphore(%run_scoped3A_221 : memref<!tpu.dma_semaphore, #tpu.memory_space<semaphore_mem>>) src(%arg7 : memref<80x128xf32, #tpu.memory_space<vmem>>) dst(%dma_wait3A_233 : memref<10240x128xf32, #tpu.memory_space<vmem_shared>>)
          tpu.yield
        }) : () -> ()
      } else {
      }
      %jit3A_135 = arith.constant 3 : i32
      %eq3A_136 = arith.constant 0 : i32
      %eq3A_137 = arith.cmpi eq, %jit3A_135, %eq3A_136 : i32
      %jit3A_138 = arith.constant 1 : i32
      %select_n3A_139 = arith.select %eq3A_137, %jit3A_138, %jit3A_135 : i32
      %rem3A_140 = arith.remsi %scan3A_33, %select_n3A_139 : i32
      %ne3A_141 = arith.constant 0 : i32
      %ne3A_142 = arith.cmpi ne, %rem3A_140, %ne3A_141 : i32
      %lt3A_143 = arith.constant 0 : i32
      %lt3A_144 = arith.cmpi slt, %rem3A_140, %lt3A_143 : i32
      %lt3A_145 = arith.constant 0 : i32
      %lt3A_146 = arith.cmpi slt, %select_n3A_139, %lt3A_145 : i32
      %ne3A_147 = arith.xori %lt3A_144, %lt3A_146 : i1
      %and3A_148 = arith.andi %ne3A_147, %ne3A_142 : i1
      %add3A_149 = arith.addi %rem3A_140, %select_n3A_139 : i32
      %select_n3A_150 = arith.select %and3A_148, %add3A_149, %rem3A_140 : i32
      %eq3A_151 = arith.constant 1 : i32
      %eq3A_152 = arith.cmpi eq, %select_n3A_150, %eq3A_151 : i32
      %convert_element_type3A_153 = arith.extui %eq3A_152 : i1 to i32
      %cond3A_154 = arith.constant 0 : i32
      %cond3A_155 = arith.cmpi ne, %convert_element_type3A_153, %cond3A_154 : i32
      scf.if %cond3A_155 {
        %jit3A_177 = arith.constant 2 : i32
        %eq3A_178 = arith.constant 0 : i32
        %eq3A_179 = arith.cmpi eq, %jit3A_177, %eq3A_178 : i32
        %jit3A_180 = arith.constant 1 : i32
        %select_n3A_181 = arith.select %eq3A_179, %jit3A_180, %jit3A_177 : i32
        %rem3A_182 = arith.remsi %select_n3A, %select_n3A_181 : i32
        %ne3A_183 = arith.constant 0 : i32
        %ne3A_184 = arith.cmpi ne, %rem3A_182, %ne3A_183 : i32
        %lt3A_185 = arith.constant 0 : i32
        %lt3A_186 = arith.cmpi slt, %rem3A_182, %lt3A_185 : i32
        %lt3A_187 = arith.constant 0 : i32
        %lt3A_188 = arith.cmpi slt, %select_n3A_181, %lt3A_187 : i32
        %ne3A_189 = arith.xori %lt3A_186, %lt3A_188 : i1
        %and3A_190 = arith.andi %ne3A_189, %ne3A_184 : i1
        %add3A_191 = arith.addi %rem3A_182, %select_n3A_181 : i32
        %select_n3A_192 = arith.select %and3A_190, %add3A_191, %rem3A_182 : i32
        %dma_wait3A = arith.constant 0 : i32
        %dma_wait3A_193 = arith.constant 0 : i32
        %dma_wait3A_194 = tpu.memref_slice %arg6[%select_n3A_192, %dma_wait3A, %select_n3A_63, %dma_wait3A_193] : memref<2x2x25x80xi32, #tpu.memory_space<vmem>> -> memref<1x1x1x80xi32, #tpu.memory_space<vmem>>
        %dma_wait3A_195 = tpu.memref_squeeze %dma_wait3A_194 : memref<1x1x1x80xi32, #tpu.memory_space<vmem>> -> memref<80xi32, #tpu.memory_space<vmem>>
        %dma_wait3A_196 = arith.constant 0 : i32
        %dma_wait3A_197 = arith.constant 0 : i32
        %dma_wait3A_198 = tpu.memref_slice %arg2[%dma_wait3A_196, %dma_wait3A_197] : memref<10000x128xf32, #tpu.memory_space<hbm>> -> memref<10000x128xf32, #tpu.memory_space<hbm>>
        tpu.wait_indirect_dma semaphore(%arg12 : memref<!tpu.dma_semaphore, #tpu.memory_space<semaphore_mem>>) src(%dma_wait3A_198 : memref<10000x128xf32, #tpu.memory_space<hbm>>) dst(%arg8 : memref<80x128xf32, #tpu.memory_space<vmem>>)
        %lt3A_199 = arith.constant 125 : i32
        %lt3A_200 = arith.cmpi slt, %add3A_73, %lt3A_199 : i32
        %convert_element_type3A_201 = arith.extui %lt3A_200 : i1 to i32
        %cond3A_202 = arith.constant 0 : i32
        %cond3A_203 = arith.cmpi ne, %convert_element_type3A_201, %cond3A_202 : i32
        scf.if %cond3A_203 {
          %jit3A_221 = arith.constant 2 : i32
          %eq3A_222 = arith.constant 0 : i32
          %eq3A_223 = arith.cmpi eq, %jit3A_221, %eq3A_222 : i32
          %jit3A_224 = arith.constant 1 : i32
          %select_n3A_225 = arith.select %eq3A_223, %jit3A_224, %jit3A_221 : i32
          %rem3A_226 = arith.remsi %select_n3A_97, %select_n3A_225 : i32
          %ne3A_227 = arith.constant 0 : i32
          %ne3A_228 = arith.cmpi ne, %rem3A_226, %ne3A_227 : i32
          %lt3A_229 = arith.constant 0 : i32
          %lt3A_230 = arith.cmpi slt, %rem3A_226, %lt3A_229 : i32
          %lt3A_231 = arith.constant 0 : i32
          %lt3A_232 = arith.cmpi slt, %select_n3A_225, %lt3A_231 : i32
          %ne3A_233 = arith.xori %lt3A_230, %lt3A_232 : i1
          %and3A_234 = arith.andi %ne3A_233, %ne3A_228 : i1
          %add3A_235 = arith.addi %rem3A_226, %select_n3A_225 : i32
          %select_n3A_236 = arith.select %and3A_234, %add3A_235, %rem3A_226 : i32
          %dma_start3A_237 = arith.constant 0 : i32
          %dma_start3A_238 = arith.constant 0 : i32
          %dma_start3A_239 = tpu.memref_slice %arg6[%select_n3A_236, %dma_start3A_237, %select_n3A_113, %dma_start3A_238] : memref<2x2x25x80xi32, #tpu.memory_space<vmem>> -> memref<1x1x1x80xi32, #tpu.memory_space<vmem>>
          %dma_start3A_240 = tpu.memref_squeeze %dma_start3A_239 : memref<1x1x1x80xi32, #tpu.memory_space<vmem>> -> memref<80xi32, #tpu.memory_space<vmem>>
          %dma_start3A_241 = arith.constant 0 : i32
          %dma_start3A_242 = arith.constant 0 : i32
          %dma_start3A_243 = tpu.memref_slice %arg2[%dma_start3A_241, %dma_start3A_242] : memref<10000x128xf32, #tpu.memory_space<hbm>> -> memref<10000x128xf32, #tpu.memory_space<hbm>>
          tpu.enqueue_indirect_dma source(%dma_start3A_243 : memref<10000x128xf32, #tpu.memory_space<hbm>>) target(%arg7 : memref<80x128xf32, #tpu.memory_space<vmem>>) offsets(%dma_start3A_240 : memref<80xi32, #tpu.memory_space<vmem>>) semaphore(%arg11 : memref<!tpu.dma_semaphore, #tpu.memory_space<semaphore_mem>>)
        } else {
        }
        %jit3A_204 = arith.constant 2 : i32
        %eq3A_205 = arith.constant 0 : i32
        %eq3A_206 = arith.cmpi eq, %jit3A_204, %eq3A_205 : i32
        %jit3A_207 = arith.constant 1 : i32
        %select_n3A_208 = arith.select %eq3A_206, %jit3A_207, %jit3A_204 : i32
        %rem3A_209 = arith.remsi %select_n3A, %select_n3A_208 : i32
        %ne3A_210 = arith.constant 0 : i32
        %ne3A_211 = arith.cmpi ne, %rem3A_209, %ne3A_210 : i32
        %lt3A_212 = arith.constant 0 : i32
        %lt3A_213 = arith.cmpi slt, %rem3A_209, %lt3A_212 : i32
        %lt3A_214 = arith.constant 0 : i32
        %lt3A_215 = arith.cmpi slt, %select_n3A_208, %lt3A_214 : i32
        %ne3A_216 = arith.xori %lt3A_213, %lt3A_215 : i1
        %and3A_217 = arith.andi %ne3A_216, %ne3A_211 : i1
        %add3A_218 = arith.addi %rem3A_209, %select_n3A_208 : i32
        %select_n3A_219 = arith.select %and3A_217, %add3A_218, %rem3A_209 : i32
        %run_scoped3A_220 = arith.constant 1 : i32
        "tpu.region"() ({
          %run_scoped3A_221 = tpu.sem_alloc : memref<!tpu.dma_semaphore, #tpu.memory_space<semaphore_mem>>
          %dma_start3A_222 = arith.constant 0 : i32
          %dma_start3A_223 = tpu.memref_slice %arg6[%select_n3A_219, %run_scoped3A_220, %select_n3A_63, %dma_start3A_222] : memref<2x2x25x80xi32, #tpu.memory_space<vmem>> -> memref<1x1x1x80xi32, #tpu.memory_space<vmem>>
          %dma_start3A_224 = tpu.memref_squeeze %dma_start3A_223 : memref<1x1x1x80xi32, #tpu.memory_space<vmem>> -> memref<80xi32, #tpu.memory_space<vmem>>
          %dma_start3A_225 = arith.constant 0 : i32
          %dma_start3A_226 = arith.constant 0 : i32
          %dma_start3A_227 = tpu.memref_slice %arg10[%dma_start3A_225, %dma_start3A_226] : memref<10240x128xf32, #tpu.memory_space<vmem_shared>> -> memref<10240x128xf32, #tpu.memory_space<vmem_shared>>
          tpu.enqueue_indirect_dma source(%arg8 : memref<80x128xf32, #tpu.memory_space<vmem>>) target(%dma_start3A_227 : memref<10240x128xf32, #tpu.memory_space<vmem_shared>>) offsets(%dma_start3A_224 : memref<80xi32, #tpu.memory_space<vmem>>) semaphore(%run_scoped3A_221 : memref<!tpu.dma_semaphore, #tpu.memory_space<semaphore_mem>>) {add = true}
          %dma_wait3A_228 = arith.constant 0 : i32
          %dma_wait3A_229 = tpu.memref_slice %arg6[%select_n3A_219, %run_scoped3A_220, %select_n3A_63, %dma_wait3A_228] : memref<2x2x25x80xi32, #tpu.memory_space<vmem>> -> memref<1x1x1x80xi32, #tpu.memory_space<vmem>>
          %dma_wait3A_230 = tpu.memref_squeeze %dma_wait3A_229 : memref<1x1x1x80xi32, #tpu.memory_space<vmem>> -> memref<80xi32, #tpu.memory_space<vmem>>
          %dma_wait3A_231 = arith.constant 0 : i32
          %dma_wait3A_232 = arith.constant 0 : i32
          %dma_wait3A_233 = tpu.memref_slice %arg10[%dma_wait3A_231, %dma_wait3A_232] : memref<10240x128xf32, #tpu.memory_space<vmem_shared>> -> memref<10240x128xf32, #tpu.memory_space<vmem_shared>>
          tpu.wait_indirect_dma semaphore(%run_scoped3A_221 : memref<!tpu.dma_semaphore, #tpu.memory_space<semaphore_mem>>) src(%arg8 : memref<80x128xf32, #tpu.memory_space<vmem>>) dst(%dma_wait3A_233 : memref<10240x128xf32, #tpu.memory_space<vmem_shared>>)
          tpu.yield
        }) : () -> ()
      } else {
      }
      %jit3A_156 = arith.constant 3 : i32
      %eq3A_157 = arith.constant 0 : i32
      %eq3A_158 = arith.cmpi eq, %jit3A_156, %eq3A_157 : i32
      %jit3A_159 = arith.constant 1 : i32
      %select_n3A_160 = arith.select %eq3A_158, %jit3A_159, %jit3A_156 : i32
      %rem3A_161 = arith.remsi %scan3A_33, %select_n3A_160 : i32
      %ne3A_162 = arith.constant 0 : i32
      %ne3A_163 = arith.cmpi ne, %rem3A_161, %ne3A_162 : i32
      %lt3A_164 = arith.constant 0 : i32
      %lt3A_165 = arith.cmpi slt, %rem3A_161, %lt3A_164 : i32
      %lt3A_166 = arith.constant 0 : i32
      %lt3A_167 = arith.cmpi slt, %select_n3A_160, %lt3A_166 : i32
      %ne3A_168 = arith.xori %lt3A_165, %lt3A_167 : i1
      %and3A_169 = arith.andi %ne3A_168, %ne3A_163 : i1
      %add3A_170 = arith.addi %rem3A_161, %select_n3A_160 : i32
      %select_n3A_171 = arith.select %and3A_169, %add3A_170, %rem3A_161 : i32
      %eq3A_172 = arith.constant 2 : i32
      %eq3A_173 = arith.cmpi eq, %select_n3A_171, %eq3A_172 : i32
      %convert_element_type3A_174 = arith.extui %eq3A_173 : i1 to i32
      %cond3A_175 = arith.constant 0 : i32
      %cond3A_176 = arith.cmpi ne, %convert_element_type3A_174, %cond3A_175 : i32
      scf.if %cond3A_176 {
        %jit3A_177 = arith.constant 2 : i32
        %eq3A_178 = arith.constant 0 : i32
        %eq3A_179 = arith.cmpi eq, %jit3A_177, %eq3A_178 : i32
        %jit3A_180 = arith.constant 1 : i32
        %select_n3A_181 = arith.select %eq3A_179, %jit3A_180, %jit3A_177 : i32
        %rem3A_182 = arith.remsi %select_n3A, %select_n3A_181 : i32
        %ne3A_183 = arith.constant 0 : i32
        %ne3A_184 = arith.cmpi ne, %rem3A_182, %ne3A_183 : i32
        %lt3A_185 = arith.constant 0 : i32
        %lt3A_186 = arith.cmpi slt, %rem3A_182, %lt3A_185 : i32
        %lt3A_187 = arith.constant 0 : i32
        %lt3A_188 = arith.cmpi slt, %select_n3A_181, %lt3A_187 : i32
        %ne3A_189 = arith.xori %lt3A_186, %lt3A_188 : i1
        %and3A_190 = arith.andi %ne3A_189, %ne3A_184 : i1
        %add3A_191 = arith.addi %rem3A_182, %select_n3A_181 : i32
        %select_n3A_192 = arith.select %and3A_190, %add3A_191, %rem3A_182 : i32
        %dma_wait3A = arith.constant 0 : i32
        %dma_wait3A_193 = arith.constant 0 : i32
        %dma_wait3A_194 = tpu.memref_slice %arg6[%select_n3A_192, %dma_wait3A, %select_n3A_63, %dma_wait3A_193] : memref<2x2x25x80xi32, #tpu.memory_space<vmem>> -> memref<1x1x1x80xi32, #tpu.memory_space<vmem>>
        %dma_wait3A_195 = tpu.memref_squeeze %dma_wait3A_194 : memref<1x1x1x80xi32, #tpu.memory_space<vmem>> -> memref<80xi32, #tpu.memory_space<vmem>>
        %dma_wait3A_196 = arith.constant 0 : i32
        %dma_wait3A_197 = arith.constant 0 : i32
        %dma_wait3A_198 = tpu.memref_slice %arg2[%dma_wait3A_196, %dma_wait3A_197] : memref<10000x128xf32, #tpu.memory_space<hbm>> -> memref<10000x128xf32, #tpu.memory_space<hbm>>
        tpu.wait_indirect_dma semaphore(%arg13 : memref<!tpu.dma_semaphore, #tpu.memory_space<semaphore_mem>>) src(%dma_wait3A_198 : memref<10000x128xf32, #tpu.memory_space<hbm>>) dst(%arg9 : memref<80x128xf32, #tpu.memory_space<vmem>>)
        %lt3A_199 = arith.constant 125 : i32
        %lt3A_200 = arith.cmpi slt, %add3A_73, %lt3A_199 : i32
        %convert_element_type3A_201 = arith.extui %lt3A_200 : i1 to i32
        %cond3A_202 = arith.constant 0 : i32
        %cond3A_203 = arith.cmpi ne, %convert_element_type3A_201, %cond3A_202 : i32
        scf.if %cond3A_203 {
          %jit3A_221 = arith.constant 2 : i32
          %eq3A_222 = arith.constant 0 : i32
          %eq3A_223 = arith.cmpi eq, %jit3A_221, %eq3A_222 : i32
          %jit3A_224 = arith.constant 1 : i32
          %select_n3A_225 = arith.select %eq3A_223, %jit3A_224, %jit3A_221 : i32
          %rem3A_226 = arith.remsi %select_n3A_97, %select_n3A_225 : i32
          %ne3A_227 = arith.constant 0 : i32
          %ne3A_228 = arith.cmpi ne, %rem3A_226, %ne3A_227 : i32
          %lt3A_229 = arith.constant 0 : i32
          %lt3A_230 = arith.cmpi slt, %rem3A_226, %lt3A_229 : i32
          %lt3A_231 = arith.constant 0 : i32
          %lt3A_232 = arith.cmpi slt, %select_n3A_225, %lt3A_231 : i32
          %ne3A_233 = arith.xori %lt3A_230, %lt3A_232 : i1
          %and3A_234 = arith.andi %ne3A_233, %ne3A_228 : i1
          %add3A_235 = arith.addi %rem3A_226, %select_n3A_225 : i32
          %select_n3A_236 = arith.select %and3A_234, %add3A_235, %rem3A_226 : i32
          %dma_start3A_237 = arith.constant 0 : i32
          %dma_start3A_238 = arith.constant 0 : i32
          %dma_start3A_239 = tpu.memref_slice %arg6[%select_n3A_236, %dma_start3A_237, %select_n3A_113, %dma_start3A_238] : memref<2x2x25x80xi32, #tpu.memory_space<vmem>> -> memref<1x1x1x80xi32, #tpu.memory_space<vmem>>
          %dma_start3A_240 = tpu.memref_squeeze %dma_start3A_239 : memref<1x1x1x80xi32, #tpu.memory_space<vmem>> -> memref<80xi32, #tpu.memory_space<vmem>>
          %dma_start3A_241 = arith.constant 0 : i32
          %dma_start3A_242 = arith.constant 0 : i32
          %dma_start3A_243 = tpu.memref_slice %arg2[%dma_start3A_241, %dma_start3A_242] : memref<10000x128xf32, #tpu.memory_space<hbm>> -> memref<10000x128xf32, #tpu.memory_space<hbm>>
          tpu.enqueue_indirect_dma source(%dma_start3A_243 : memref<10000x128xf32, #tpu.memory_space<hbm>>) target(%arg8 : memref<80x128xf32, #tpu.memory_space<vmem>>) offsets(%dma_start3A_240 : memref<80xi32, #tpu.memory_space<vmem>>) semaphore(%arg12 : memref<!tpu.dma_semaphore, #tpu.memory_space<semaphore_mem>>)
        } else {
        }
        %jit3A_204 = arith.constant 2 : i32
        %eq3A_205 = arith.constant 0 : i32
        %eq3A_206 = arith.cmpi eq, %jit3A_204, %eq3A_205 : i32
        %jit3A_207 = arith.constant 1 : i32
        %select_n3A_208 = arith.select %eq3A_206, %jit3A_207, %jit3A_204 : i32
        %rem3A_209 = arith.remsi %select_n3A, %select_n3A_208 : i32
        %ne3A_210 = arith.constant 0 : i32
        %ne3A_211 = arith.cmpi ne, %rem3A_209, %ne3A_210 : i32
        %lt3A_212 = arith.constant 0 : i32
        %lt3A_213 = arith.cmpi slt, %rem3A_209, %lt3A_212 : i32
        %lt3A_214 = arith.constant 0 : i32
        %lt3A_215 = arith.cmpi slt, %select_n3A_208, %lt3A_214 : i32
        %ne3A_216 = arith.xori %lt3A_213, %lt3A_215 : i1
        %and3A_217 = arith.andi %ne3A_216, %ne3A_211 : i1
        %add3A_218 = arith.addi %rem3A_209, %select_n3A_208 : i32
        %select_n3A_219 = arith.select %and3A_217, %add3A_218, %rem3A_209 : i32
        %run_scoped3A_220 = arith.constant 1 : i32
        "tpu.region"() ({
          %run_scoped3A_221 = tpu.sem_alloc : memref<!tpu.dma_semaphore, #tpu.memory_space<semaphore_mem>>
          %dma_start3A_222 = arith.constant 0 : i32
          %dma_start3A_223 = tpu.memref_slice %arg6[%select_n3A_219, %run_scoped3A_220, %select_n3A_63, %dma_start3A_222] : memref<2x2x25x80xi32, #tpu.memory_space<vmem>> -> memref<1x1x1x80xi32, #tpu.memory_space<vmem>>
          %dma_start3A_224 = tpu.memref_squeeze %dma_start3A_223 : memref<1x1x1x80xi32, #tpu.memory_space<vmem>> -> memref<80xi32, #tpu.memory_space<vmem>>
          %dma_start3A_225 = arith.constant 0 : i32
          %dma_start3A_226 = arith.constant 0 : i32
          %dma_start3A_227 = tpu.memref_slice %arg10[%dma_start3A_225, %dma_start3A_226] : memref<10240x128xf32, #tpu.memory_space<vmem_shared>> -> memref<10240x128xf32, #tpu.memory_space<vmem_shared>>
          tpu.enqueue_indirect_dma source(%arg9 : memref<80x128xf32, #tpu.memory_space<vmem>>) target(%dma_start3A_227 : memref<10240x128xf32, #tpu.memory_space<vmem_shared>>) offsets(%dma_start3A_224 : memref<80xi32, #tpu.memory_space<vmem>>) semaphore(%run_scoped3A_221 : memref<!tpu.dma_semaphore, #tpu.memory_space<semaphore_mem>>) {add = true}
          %dma_wait3A_228 = arith.constant 0 : i32
          %dma_wait3A_229 = tpu.memref_slice %arg6[%select_n3A_219, %run_scoped3A_220, %select_n3A_63, %dma_wait3A_228] : memref<2x2x25x80xi32, #tpu.memory_space<vmem>> -> memref<1x1x1x80xi32, #tpu.memory_space<vmem>>
          %dma_wait3A_230 = tpu.memref_squeeze %dma_wait3A_229 : memref<1x1x1x80xi32, #tpu.memory_space<vmem>> -> memref<80xi32, #tpu.memory_space<vmem>>
          %dma_wait3A_231 = arith.constant 0 : i32
          %dma_wait3A_232 = arith.constant 0 : i32
          %dma_wait3A_233 = tpu.memref_slice %arg10[%dma_wait3A_231, %dma_wait3A_232] : memref<10240x128xf32, #tpu.memory_space<vmem_shared>> -> memref<10240x128xf32, #tpu.memory_space<vmem_shared>>
          tpu.wait_indirect_dma semaphore(%run_scoped3A_221 : memref<!tpu.dma_semaphore, #tpu.memory_space<semaphore_mem>>) src(%arg9 : memref<80x128xf32, #tpu.memory_space<vmem>>) dst(%dma_wait3A_233 : memref<10240x128xf32, #tpu.memory_space<vmem_shared>>)
          tpu.yield
        }) : () -> ()
      } else {
      }
    }
    %scan3A_27 = arith.constant 125 : i32
    %barrier3A_28 = arith.constant 0 : index
    tpu.barrier barrier_id(%barrier3A_28)
    %mul3A_29 = arith.constant 640 : i32
    %mul3A_30 = arith.muli %arg1, %mul3A_29 : i32
    %mul3A_31 = arith.constant 640 : i32
    %mul3A_32 = arith.muli %arg1, %mul3A_31 : i32
    "tpu.region"() ({
      %run_scoped3A_33 = tpu.sem_alloc : memref<!tpu.dma_semaphore, #tpu.memory_space<semaphore_mem>>
      %dma_start3A_34 = arith.constant 0 : i32
      %dma_start3A_35 = tpu.memref_slice %arg5[%arg0, %mul3A_32, %dma_start3A_34] : memref<2x10240x128xf32, #tpu.memory_space<hbm>> -> memref<1x640x128xf32, #tpu.memory_space<hbm>>
      %dma_start3A_36 = tpu.memref_squeeze %dma_start3A_35 : memref<1x640x128xf32, #tpu.memory_space<hbm>> -> memref<640x128xf32, #tpu.memory_space<hbm>>
      %dma_start3A_37 = arith.constant 0 : i32
      %dma_start3A_38 = tpu.memref_slice %arg10[%mul3A_30, %dma_start3A_37] : memref<10240x128xf32, #tpu.memory_space<vmem_shared>> -> memref<640x128xf32, #tpu.memory_space<vmem_shared>>
      tpu.enqueue_dma source(%dma_start3A_38 : memref<640x128xf32, #tpu.memory_space<vmem_shared>>) target(%dma_start3A_36 : memref<640x128xf32, #tpu.memory_space<hbm>>) target_semaphore(%run_scoped3A_33 : memref<!tpu.dma_semaphore, #tpu.memory_space<semaphore_mem>>)
      %dma_wait3A = arith.constant 0 : i32
      %dma_wait3A_39 = tpu.memref_slice %arg5[%arg0, %mul3A_32, %dma_wait3A] : memref<2x10240x128xf32, #tpu.memory_space<hbm>> -> memref<1x640x128xf32, #tpu.memory_space<hbm>>
      %dma_wait3A_40 = tpu.memref_squeeze %dma_wait3A_39 : memref<1x640x128xf32, #tpu.memory_space<hbm>> -> memref<640x128xf32, #tpu.memory_space<hbm>>
      %dma_wait3A_41 = arith.constant 0 : i32
      %dma_wait3A_42 = tpu.memref_slice %arg10[%mul3A_30, %dma_wait3A_41] : memref<10240x128xf32, #tpu.memory_space<vmem_shared>> -> memref<640x128xf32, #tpu.memory_space<vmem_shared>>
      tpu.wait_dma2 semaphore(%run_scoped3A_33 : memref<!tpu.dma_semaphore, #tpu.memory_space<semaphore_mem>>) src(%dma_wait3A_42 : memref<640x128xf32, #tpu.memory_space<vmem_shared>>) dst(%dma_wait3A_40 : memref<640x128xf32, #tpu.memory_space<hbm>>)
      tpu.yield
    }) : () -> ()
    return
  }
}

#map = affine_map<(d0, d1) -> (0, 0)>
#map1 = affine_map<(d0, d1) -> (0, 0, 0, 0, 0)>
#map2 = affine_map<(d0, d1) -> (0, 0, 0)>
module attributes {stable_mosaic.version = 14 : i64} {
  func.func @_scatter_kernel(%arg0: i32, %arg1: i32, %arg2: memref<10000x128xf32, #tpu.memory_space<hbm>>, %arg3: memref<32x5x2x25x80xi32, #tpu.memory_space<hbm>>, %arg4: memref<10240x128xf32, #tpu.memory_space<hbm>>, %arg5: memref<2x10240x128xf32, #tpu.memory_space<hbm>>, %arg6: memref<2x2x25x80xi32, #tpu.memory_space<vmem>>, %arg7: memref<80x128xf32, #tpu.memory_space<vmem>>, %arg8: memref<80x128xf32, #tpu.memory_space<vmem>>, %arg9: memref<80x128xf32, #tpu.memory_space<vmem>>, %arg10: memref<10240x128xf32, #tpu.memory_space<vmem_shared>>, %arg11: memref<!tpu.dma_semaphore, #tpu.memory_space<semaphore_mem>>, %arg12: memref<!tpu.dma_semaphore, #tpu.memory_space<semaphore_mem>>, %arg13: memref<!tpu.dma_semaphore, #tpu.memory_space<semaphore_mem>>) attributes {dimension_semantics = [#tpu.dimension_semantics<core_parallel>, #tpu.dimension_semantics<subcore_parallel>], iteration_bounds = array<i64: 2, 16>, scalar_prefetch = 0 : i64, scratch_operands = 8 : i64, tpu.core_type = #tpu.core_type<sc_vector_subcore>, window_params = [{transform_indices = #map}, {transform_indices = #map1}, {transform_indices = #map}, {transform_indices = #map2}]} {
    %mul3A = arith.constant 16 : i32
    %mul3A_0 = arith.muli %arg0, %mul3A : i32
    %add3A = arith.addi %mul3A_0, %arg1 : i32
    %mul3A_1 = arith.constant 640 : i32
    %mul3A_2 = arith.muli %arg1, %mul3A_1 : i32
    %mul3A_3 = arith.constant 640 : i32
    %mul3A_4 = arith.muli %arg1, %mul3A_3 : i32
    "tpu.region"() ({
      %run_scoped3A_33 = tpu.sem_alloc : memref<!tpu.dma_semaphore, #tpu.memory_space<semaphore_mem>>
      %dma_start3A_34 = arith.constant 0 : i32
      %dma_start3A_35 = tpu.memref_slice %arg10[%mul3A_4, %dma_start3A_34] : memref<10240x128xf32, #tpu.memory_space<vmem_shared>> -> memref<640x128xf32, #tpu.memory_space<vmem_shared>>
      %dma_start3A_36 = arith.constant 0 : i32
      %dma_start3A_37 = tpu.memref_slice %arg4[%mul3A_2, %dma_start3A_36] : memref<10240x128xf32, #tpu.memory_space<hbm>> -> memref<640x128xf32, #tpu.memory_space<hbm>>
      tpu.enqueue_dma source(%dma_start3A_37 : memref<640x128xf32, #tpu.memory_space<hbm>>) target(%dma_start3A_35 : memref<640x128xf32, #tpu.memory_space<vmem_shared>>) target_semaphore(%run_scoped3A_33 : memref<!tpu.dma_semaphore, #tpu.memory_space<semaphore_mem>>)
      %dma_wait3A = arith.constant 0 : i32
      %dma_wait3A_38 = tpu.memref_slice %arg10[%mul3A_4, %dma_wait3A] : memref<10240x128xf32, #tpu.memory_space<vmem_shared>> -> memref<640x128xf32, #tpu.memory_space<vmem_shared>>
      %dma_wait3A_39 = arith.constant 0 : i32
      %dma_wait3A_40 = tpu.memref_slice %arg4[%mul3A_2, %dma_wait3A_39] : memref<10240x128xf32, #tpu.memory_space<hbm>> -> memref<640x128xf32, #tpu.memory_space<hbm>>
      tpu.wait_dma2 semaphore(%run_scoped3A_33 : memref<!tpu.dma_semaphore, #tpu.memory_space<semaphore_mem>>) src(%dma_wait3A_40 : memref<640x128xf32, #tpu.memory_space<hbm>>) dst(%dma_wait3A_38 : memref<640x128xf32, #tpu.memory_space<vmem_shared>>)
      tpu.yield
    }) : () -> ()
    %run_scoped3A = arith.constant 0 : i32
    %run_scoped3A_5 = arith.constant 0 : i32
    "tpu.region"() ({
      %run_scoped3A_33 = tpu.sem_alloc : memref<!tpu.dma_semaphore, #tpu.memory_space<semaphore_mem>>
      %dma_start3A_34 = arith.constant 0 : i32
      %dma_start3A_35 = arith.constant 0 : i32
      %dma_start3A_36 = arith.constant 0 : i32
      %dma_start3A_37 = tpu.memref_slice %arg6[%run_scoped3A_5, %dma_start3A_34, %dma_start3A_35, %dma_start3A_36] : memref<2x2x25x80xi32, #tpu.memory_space<vmem>> -> memref<1x2x25x80xi32, #tpu.memory_space<vmem>>
      %dma_start3A_38 = tpu.memref_squeeze %dma_start3A_37 : memref<1x2x25x80xi32, #tpu.memory_space<vmem>> -> memref<2x25x80xi32, #tpu.memory_space<vmem>>
      %dma_start3A_39 = arith.constant 0 : i32
      %dma_start3A_40 = arith.constant 0 : i32
      %dma_start3A_41 = arith.constant 0 : i32
      %dma_start3A_42 = tpu.memref_slice %arg3[%add3A, %run_scoped3A, %dma_start3A_39, %dma_start3A_40, %dma_start3A_41] : memref<32x5x2x25x80xi32, #tpu.memory_space<hbm>> -> memref<1x1x2x25x80xi32, #tpu.memory_space<hbm>>
      %dma_start3A_43 = tpu.memref_squeeze %dma_start3A_42 : memref<1x1x2x25x80xi32, #tpu.memory_space<hbm>> -> memref<2x25x80xi32, #tpu.memory_space<hbm>>
      %dma_start3A_44 = arith.constant 0 : i32
      %dma_start3A_45 = arith.constant 0 : i32
      %dma_start3A_46 = arith.constant 0 : i32
      %dma_start3A_47 = tpu.memref_slice %arg6[%run_scoped3A_5, %dma_start3A_44, %dma_start3A_45, %dma_start3A_46] : memref<2x2x25x80xi32, #tpu.memory_space<vmem>> -> memref<1x2x25x80xi32, #tpu.memory_space<vmem>>
      %dma_start3A_48 = tpu.memref_squeeze %dma_start3A_47 : memref<1x2x25x80xi32, #tpu.memory_space<vmem>> -> memref<2x25x80xi32, #tpu.memory_space<vmem>>
      %dma_start3A_49 = arith.constant 0 : i32
      %dma_start3A_50 = arith.constant 0 : i32
      %dma_start3A_51 = arith.constant 0 : i32
      %dma_start3A_52 = tpu.memref_slice %arg3[%add3A, %run_scoped3A, %dma_start3A_49, %dma_start3A_50, %dma_start3A_51] : memref<32x5x2x25x80xi32, #tpu.memory_space<hbm>> -> memref<1x1x2x25x80xi32, #tpu.memory_space<hbm>>
      %dma_start3A_53 = tpu.memref_squeeze %dma_start3A_52 : memref<1x1x2x25x80xi32, #tpu.memory_space<hbm>> -> memref<2x25x80xi32, #tpu.memory_space<hbm>>
      tpu.enqueue_dma source(%dma_start3A_53 : memref<2x25x80xi32, #tpu.memory_space<hbm>>) target(%dma_start3A_48 : memref<2x25x80xi32, #tpu.memory_space<vmem>>) target_semaphore(%run_scoped3A_33 : memref<!tpu.dma_semaphore, #tpu.memory_space<semaphore_mem>>)
      %dma_wait3A = arith.constant 0 : i32
      %dma_wait3A_54 = arith.constant 0 : i32
      %dma_wait3A_55 = arith.constant 0 : i32
      %dma_wait3A_56 = tpu.memref_slice %arg6[%run_scoped3A_5, %dma_wait3A, %dma_wait3A_54, %dma_wait3A_55] : memref<2x2x25x80xi32, #tpu.memory_space<vmem>> -> memref<1x2x25x80xi32, #tpu.memory_space<vmem>>
      %dma_wait3A_57 = tpu.memref_squeeze %dma_wait3A_56 : memref<1x2x25x80xi32, #tpu.memory_space<vmem>> -> memref<2x25x80xi32, #tpu.memory_space<vmem>>
      %dma_wait3A_58 = arith.constant 0 : i32
      %dma_wait3A_59 = arith.constant 0 : i32
      %dma_wait3A_60 = arith.constant 0 : i32
      %dma_wait3A_61 = tpu.memref_slice %arg3[%add3A, %run_scoped3A, %dma_wait3A_58, %dma_wait3A_59, %dma_wait3A_60] : memref<32x5x2x25x80xi32, #tpu.memory_space<hbm>> -> memref<1x1x2x25x80xi32, #tpu.memory_space<hbm>>
      %dma_wait3A_62 = tpu.memref_squeeze %dma_wait3A_61 : memref<1x1x2x25x80xi32, #tpu.memory_space<hbm>> -> memref<2x25x80xi32, #tpu.memory_space<hbm>>
      %dma_wait3A_63 = arith.constant 0 : i32
      %dma_wait3A_64 = arith.constant 0 : i32
      %dma_wait3A_65 = arith.constant 0 : i32
      %dma_wait3A_66 = tpu.memref_slice %arg6[%run_scoped3A_5, %dma_wait3A_63, %dma_wait3A_64, %dma_wait3A_65] : memref<2x2x25x80xi32, #tpu.memory_space<vmem>> -> memref<1x2x25x80xi32, #tpu.memory_space<vmem>>
      %dma_wait3A_67 = tpu.memref_squeeze %dma_wait3A_66 : memref<1x2x25x80xi32, #tpu.memory_space<vmem>> -> memref<2x25x80xi32, #tpu.memory_space<vmem>>
      %dma_wait3A_68 = arith.constant 0 : i32
      %dma_wait3A_69 = arith.constant 0 : i32
      %dma_wait3A_70 = arith.constant 0 : i32
      %dma_wait3A_71 = tpu.memref_slice %arg3[%add3A, %run_scoped3A, %dma_wait3A_68, %dma_wait3A_69, %dma_wait3A_70] : memref<32x5x2x25x80xi32, #tpu.memory_space<hbm>> -> memref<1x1x2x25x80xi32, #tpu.memory_space<hbm>>
      %dma_wait3A_72 = tpu.memref_squeeze %dma_wait3A_71 : memref<1x1x2x25x80xi32, #tpu.memory_space<hbm>> -> memref<2x25x80xi32, #tpu.memory_space<hbm>>
      tpu.wait_dma2 semaphore(%run_scoped3A_33 : memref<!tpu.dma_semaphore, #tpu.memory_space<semaphore_mem>>) src(%dma_wait3A_72 : memref<2x25x80xi32, #tpu.memory_space<hbm>>) dst(%dma_wait3A_67 : memref<2x25x80xi32, #tpu.memory_space<vmem>>)
      tpu.yield
    }) : () -> ()
    %barrier3A = arith.constant 0 : index
    tpu.barrier barrier_id(%barrier3A)
    %dma_start3A = arith.constant 0 : i32
    %dma_start3A_6 = arith.constant 0 : i32
    %dma_start3A_7 = arith.constant 0 : i32
    %dma_start3A_8 = arith.constant 0 : i32
    %dma_start3A_9 = tpu.memref_slice %arg6[%dma_start3A, %dma_start3A_6, %dma_start3A_7, %dma_start3A_8] : memref<2x2x25x80xi32, #tpu.memory_space<vmem>> -> memref<1x1x1x80xi32, #tpu.memory_space<vmem>>
    %dma_start3A_10 = tpu.memref_squeeze %dma_start3A_9 : memref<1x1x1x80xi32, #tpu.memory_space<vmem>> -> memref<80xi32, #tpu.memory_space<vmem>>
    %dma_start3A_11 = arith.constant 0 : i32
    %dma_start3A_12 = arith.constant 0 : i32
    %dma_start3A_13 = tpu.memref_slice %arg2[%dma_start3A_11, %dma_start3A_12] : memref<10000x128xf32, #tpu.memory_space<hbm>> -> memref<10000x128xf32, #tpu.memory_space<hbm>>
    tpu.enqueue_indirect_dma source(%dma_start3A_13 : memref<10000x128xf32, #tpu.memory_space<hbm>>) target(%arg7 : memref<80x128xf32, #tpu.memory_space<vmem>>) offsets(%dma_start3A_10 : memref<80xi32, #tpu.memory_space<vmem>>) semaphore(%arg11 : memref<!tpu.dma_semaphore, #tpu.memory_space<semaphore_mem>>)
    %dma_start3A_14 = arith.constant 0 : i32
    %dma_start3A_15 = arith.constant 0 : i32
    %dma_start3A_16 = arith.constant 1 : i32
    %dma_start3A_17 = arith.constant 0 : i32
    %dma_start3A_18 = tpu.memref_slice %arg6[%dma_start3A_14, %dma_start3A_15, %dma_start3A_16, %dma_start3A_17] : memref<2x2x25x80xi32, #tpu.memory_space<vmem>> -> memref<1x1x1x80xi32, #tpu.memory_space<vmem>>
    %dma_start3A_19 = tpu.memref_squeeze %dma_start3A_18 : memref<1x1x1x80xi32, #tpu.memory_space<vmem>> -> memref<80xi32, #tpu.memory_space<vmem>>
    %dma_start3A_20 = arith.constant 0 : i32
    %dma_start3A_21 = arith.constant 0 : i32
    %dma_start3A_22 = tpu.memref_slice %arg2[%dma_start3A_20, %dma_start3A_21] : memref<10000x128xf32, #tpu.memory_space<hbm>> -> memref<10000x128xf32, #tpu.memory_space<hbm>>
    tpu.enqueue_indirect_dma source(%dma_start3A_22 : memref<10000x128xf32, #tpu.memory_space<hbm>>) target(%arg8 : memref<80x128xf32, #tpu.memory_space<vmem>>) offsets(%dma_start3A_19 : memref<80xi32, #tpu.memory_space<vmem>>) semaphore(%arg12 : memref<!tpu.dma_semaphore, #tpu.memory_space<semaphore_mem>>)
    %scan3A = arith.constant 0 : i32
    %scan3A_23 = arith.constant 0 : i32
    %scan3A_24 = arith.constant 125 : i32
    %scan3A_25 = arith.addi %scan3A_23, %scan3A_24 : i32
    %scan3A_26 = arith.constant 1 : i32
    scf.for %scan3A_33 = %scan3A_23 to %scan3A_25 step %scan3A_26  : i32 {
      %jit3A = arith.constant 25 : i32
      %div3A = arith.divsi %scan3A_33, %jit3A : i32
      %sign3A = arith.constant 0 : i32
      %sign3A_34 = arith.cmpi sgt, %scan3A_33, %sign3A : i32
      %sign3A_35 = arith.extui %sign3A_34 : i1 to i32
      %sign3A_36 = arith.constant 0 : i32
      %sign3A_37 = arith.cmpi slt, %scan3A_33, %sign3A_36 : i32
      %sign3A_38 = arith.extui %sign3A_37 : i1 to i32
      %sign3A_39 = arith.subi %sign3A_35, %sign3A_38 : i32
      %sign3A_40 = arith.constant 0 : i32
      %sign3A_41 = arith.cmpi sgt, %jit3A, %sign3A_40 : i32
      %sign3A_42 = arith.extui %sign3A_41 : i1 to i32
      %sign3A_43 = arith.constant 0 : i32
      %sign3A_44 = arith.cmpi slt, %jit3A, %sign3A_43 : i32
      %sign3A_45 = arith.extui %sign3A_44 : i1 to i32
      %sign3A_46 = arith.subi %sign3A_42, %sign3A_45 : i32
      %ne3A = arith.cmpi ne, %sign3A_39, %sign3A_46 : i32
      %rem3A = arith.remsi %scan3A_33, %jit3A : i32
      %ne3A_47 = arith.constant 0 : i32
      %ne3A_48 = arith.cmpi ne, %rem3A, %ne3A_47 : i32
      %and3A = arith.andi %ne3A, %ne3A_48 : i1
      %sub3A = arith.constant 1 : i32
      %sub3A_49 = arith.subi %div3A, %sub3A : i32
      %select_n3A = arith.select %and3A, %sub3A_49, %div3A : i32
      %jit3A_50 = arith.constant 25 : i32
      %eq3A = arith.constant 0 : i32
      %eq3A_51 = arith.cmpi eq, %jit3A_50, %eq3A : i32
      %jit3A_52 = arith.constant 1 : i32
      %select_n3A_53 = arith.select %eq3A_51, %jit3A_52, %jit3A_50 : i32
      %rem3A_54 = arith.remsi %scan3A_33, %select_n3A_53 : i32
      %ne3A_55 = arith.constant 0 : i32
      %ne3A_56 = arith.cmpi ne, %rem3A_54, %ne3A_55 : i32
      %lt3A = arith.constant 0 : i32
      %lt3A_57 = arith.cmpi slt, %rem3A_54, %lt3A : i32
      %lt3A_58 = arith.constant 0 : i32
      %lt3A_59 = arith.cmpi slt, %select_n3A_53, %lt3A_58 : i32
      %ne3A_60 = arith.xori %lt3A_57, %lt3A_59 : i1
      %and3A_61 = arith.andi %ne3A_60, %ne3A_56 : i1
      %add3A_62 = arith.addi %rem3A_54, %select_n3A_53 : i32
      %select_n3A_63 = arith.select %and3A_61, %add3A_62, %rem3A_54 : i32
      %eq3A_64 = arith.constant 0 : i32
      %eq3A_65 = arith.cmpi eq, %select_n3A_63, %eq3A_64 : i32
      %add3A_66 = arith.constant 1 : i32
      %add3A_67 = arith.addi %select_n3A, %add3A_66 : i32
      %lt3A_68 = arith.constant 5 : i32
      %lt3A_69 = arith.cmpi slt, %add3A_67, %lt3A_68 : i32
      %and3A_70 = arith.andi %eq3A_65, %lt3A_69 : i1
      %convert_element_type3A = arith.extui %and3A_70 : i1 to i32
      %cond3A = arith.constant 0 : i32
      %cond3A_71 = arith.cmpi ne, %convert_element_type3A, %cond3A : i32
      scf.if %cond3A_71 {
        %add3A_177 = arith.constant 1 : i32
        %add3A_178 = arith.addi %select_n3A, %add3A_177 : i32
        %add3A_179 = arith.constant 1 : i32
        %add3A_180 = arith.addi %select_n3A, %add3A_179 : i32
        %jit3A_181 = arith.constant 2 : i32
        %eq3A_182 = arith.constant 0 : i32
        %eq3A_183 = arith.cmpi eq, %jit3A_181, %eq3A_182 : i32
        %jit3A_184 = arith.constant 1 : i32
        %select_n3A_185 = arith.select %eq3A_183, %jit3A_184, %jit3A_181 : i32
        %rem3A_186 = arith.remsi %add3A_180, %select_n3A_185 : i32
        %ne3A_187 = arith.constant 0 : i32
        %ne3A_188 = arith.cmpi ne, %rem3A_186, %ne3A_187 : i32
        %lt3A_189 = arith.constant 0 : i32
        %lt3A_190 = arith.cmpi slt, %rem3A_186, %lt3A_189 : i32
        %lt3A_191 = arith.constant 0 : i32
        %lt3A_192 = arith.cmpi slt, %select_n3A_185, %lt3A_191 : i32
        %ne3A_193 = arith.xori %lt3A_190, %lt3A_192 : i1
        %and3A_194 = arith.andi %ne3A_193, %ne3A_188 : i1
        %add3A_195 = arith.addi %rem3A_186, %select_n3A_185 : i32
        %select_n3A_196 = arith.select %and3A_194, %add3A_195, %rem3A_186 : i32
        "tpu.region"() ({
          %run_scoped3A_197 = tpu.sem_alloc : memref<!tpu.dma_semaphore, #tpu.memory_space<semaphore_mem>>
          %dma_start3A_198 = arith.constant 0 : i32
          %dma_start3A_199 = arith.constant 0 : i32
          %dma_start3A_200 = arith.constant 0 : i32
          %dma_start3A_201 = tpu.memref_slice %arg6[%select_n3A_196, %dma_start3A_198, %dma_start3A_199, %dma_start3A_200] : memref<2x2x25x80xi32, #tpu.memory_space<vmem>> -> memref<1x2x25x80xi32, #tpu.memory_space<vmem>>
          %dma_start3A_202 = tpu.memref_squeeze %dma_start3A_201 : memref<1x2x25x80xi32, #tpu.memory_space<vmem>> -> memref<2x25x80xi32, #tpu.memory_space<vmem>>
          %dma_start3A_203 = arith.constant 0 : i32
          %dma_start3A_204 = arith.constant 0 : i32
          %dma_start3A_205 = arith.constant 0 : i32
          %dma_start3A_206 = tpu.memref_slice %arg3[%add3A, %add3A_178, %dma_start3A_203, %dma_start3A_204, %dma_start3A_205] : memref<32x5x2x25x80xi32, #tpu.memory_space<hbm>> -> memref<1x1x2x25x80xi32, #tpu.memory_space<hbm>>
          %dma_start3A_207 = tpu.memref_squeeze %dma_start3A_206 : memref<1x1x2x25x80xi32, #tpu.memory_space<hbm>> -> memref<2x25x80xi32, #tpu.memory_space<hbm>>
          %dma_start3A_208 = arith.constant 0 : i32
          %dma_start3A_209 = arith.constant 0 : i32
          %dma_start3A_210 = arith.constant 0 : i32
          %dma_start3A_211 = tpu.memref_slice %arg6[%select_n3A_196, %dma_start3A_208, %dma_start3A_209, %dma_start3A_210] : memref<2x2x25x80xi32, #tpu.memory_space<vmem>> -> memref<1x2x25x80xi32, #tpu.memory_space<vmem>>
          %dma_start3A_212 = tpu.memref_squeeze %dma_start3A_211 : memref<1x2x25x80xi32, #tpu.memory_space<vmem>> -> memref<2x25x80xi32, #tpu.memory_space<vmem>>
          %dma_start3A_213 = arith.constant 0 : i32
          %dma_start3A_214 = arith.constant 0 : i32
          %dma_start3A_215 = arith.constant 0 : i32
          %dma_start3A_216 = tpu.memref_slice %arg3[%add3A, %add3A_178, %dma_start3A_213, %dma_start3A_214, %dma_start3A_215] : memref<32x5x2x25x80xi32, #tpu.memory_space<hbm>> -> memref<1x1x2x25x80xi32, #tpu.memory_space<hbm>>
          %dma_start3A_217 = tpu.memref_squeeze %dma_start3A_216 : memref<1x1x2x25x80xi32, #tpu.memory_space<hbm>> -> memref<2x25x80xi32, #tpu.memory_space<hbm>>
          tpu.enqueue_dma source(%dma_start3A_217 : memref<2x25x80xi32, #tpu.memory_space<hbm>>) target(%dma_start3A_212 : memref<2x25x80xi32, #tpu.memory_space<vmem>>) target_semaphore(%run_scoped3A_197 : memref<!tpu.dma_semaphore, #tpu.memory_space<semaphore_mem>>)
          %dma_wait3A = arith.constant 0 : i32
          %dma_wait3A_218 = arith.constant 0 : i32
          %dma_wait3A_219 = arith.constant 0 : i32
          %dma_wait3A_220 = tpu.memref_slice %arg6[%select_n3A_196, %dma_wait3A, %dma_wait3A_218, %dma_wait3A_219] : memref<2x2x25x80xi32, #tpu.memory_space<vmem>> -> memref<1x2x25x80xi32, #tpu.memory_space<vmem>>
          %dma_wait3A_221 = tpu.memref_squeeze %dma_wait3A_220 : memref<1x2x25x80xi32, #tpu.memory_space<vmem>> -> memref<2x25x80xi32, #tpu.memory_space<vmem>>
          %dma_wait3A_222 = arith.constant 0 : i32
          %dma_wait3A_223 = arith.constant 0 : i32
          %dma_wait3A_224 = arith.constant 0 : i32
          %dma_wait3A_225 = tpu.memref_slice %arg3[%add3A, %add3A_178, %dma_wait3A_222, %dma_wait3A_223, %dma_wait3A_224] : memref<32x5x2x25x80xi32, #tpu.memory_space<hbm>> -> memref<1x1x2x25x80xi32, #tpu.memory_space<hbm>>
          %dma_wait3A_226 = tpu.memref_squeeze %dma_wait3A_225 : memref<1x1x2x25x80xi32, #tpu.memory_space<hbm>> -> memref<2x25x80xi32, #tpu.memory_space<hbm>>
          %dma_wait3A_227 = arith.constant 0 : i32
          %dma_wait3A_228 = arith.constant 0 : i32
          %dma_wait3A_229 = arith.constant 0 : i32
          %dma_wait3A_230 = tpu.memref_slice %arg6[%select_n3A_196, %dma_wait3A_227, %dma_wait3A_228, %dma_wait3A_229] : memref<2x2x25x80xi32, #tpu.memory_space<vmem>> -> memref<1x2x25x80xi32, #tpu.memory_space<vmem>>
          %dma_wait3A_231 = tpu.memref_squeeze %dma_wait3A_230 : memref<1x2x25x80xi32, #tpu.memory_space<vmem>> -> memref<2x25x80xi32, #tpu.memory_space<vmem>>
          %dma_wait3A_232 = arith.constant 0 : i32
          %dma_wait3A_233 = arith.constant 0 : i32
          %dma_wait3A_234 = arith.constant 0 : i32
          %dma_wait3A_235 = tpu.memref_slice %arg3[%add3A, %add3A_178, %dma_wait3A_232, %dma_wait3A_233, %dma_wait3A_234] : memref<32x5x2x25x80xi32, #tpu.memory_space<hbm>> -> memref<1x1x2x25x80xi32, #tpu.memory_space<hbm>>
          %dma_wait3A_236 = tpu.memref_squeeze %dma_wait3A_235 : memref<1x1x2x25x80xi32, #tpu.memory_space<hbm>> -> memref<2x25x80xi32, #tpu.memory_space<hbm>>
          tpu.wait_dma2 semaphore(%run_scoped3A_197 : memref<!tpu.dma_semaphore, #tpu.memory_space<semaphore_mem>>) src(%dma_wait3A_236 : memref<2x25x80xi32, #tpu.memory_space<hbm>>) dst(%dma_wait3A_231 : memref<2x25x80xi32, #tpu.memory_space<vmem>>)
          tpu.yield
        }) : () -> ()
      } else {
      }
      %add3A_72 = arith.constant 2 : i32
      %add3A_73 = arith.addi %scan3A_33, %add3A_72 : i32
      %jit3A_74 = arith.constant 25 : i32
      %div3A_75 = arith.divsi %add3A_73, %jit3A_74 : i32
      %sign3A_76 = arith.constant 0 : i32
      %sign3A_77 = arith.cmpi sgt, %add3A_73, %sign3A_76 : i32
      %sign3A_78 = arith.extui %sign3A_77 : i1 to i32
      %sign3A_79 = arith.constant 0 : i32
      %sign3A_80 = arith.cmpi slt, %add3A_73, %sign3A_79 : i32
      %sign3A_81 = arith.extui %sign3A_80 : i1 to i32
      %sign3A_82 = arith.subi %sign3A_78, %sign3A_81 : i32
      %sign3A_83 = arith.constant 0 : i32
      %sign3A_84 = arith.cmpi sgt, %jit3A_74, %sign3A_83 : i32
      %sign3A_85 = arith.extui %sign3A_84 : i1 to i32
      %sign3A_86 = arith.constant 0 : i32
      %sign3A_87 = arith.cmpi slt, %jit3A_74, %sign3A_86 : i32
      %sign3A_88 = arith.extui %sign3A_87 : i1 to i32
      %sign3A_89 = arith.subi %sign3A_85, %sign3A_88 : i32
      %ne3A_90 = arith.cmpi ne, %sign3A_82, %sign3A_89 : i32
      %rem3A_91 = arith.remsi %add3A_73, %jit3A_74 : i32
      %ne3A_92 = arith.constant 0 : i32
      %ne3A_93 = arith.cmpi ne, %rem3A_91, %ne3A_92 : i32
      %and3A_94 = arith.andi %ne3A_90, %ne3A_93 : i1
      %sub3A_95 = arith.constant 1 : i32
      %sub3A_96 = arith.subi %div3A_75, %sub3A_95 : i32
      %select_n3A_97 = arith.select %and3A_94, %sub3A_96, %div3A_75 : i32
      %jit3A_98 = arith.constant 25 : i32
      %eq3A_99 = arith.constant 0 : i32
      %eq3A_100 = arith.cmpi eq, %jit3A_98, %eq3A_99 : i32
      %jit3A_101 = arith.constant 1 : i32
      %select_n3A_102 = arith.select %eq3A_100, %jit3A_101, %jit3A_98 : i32
      %rem3A_103 = arith.remsi %add3A_73, %select_n3A_102 : i32
      %ne3A_104 = arith.constant 0 : i32
      %ne3A_105 = arith.cmpi ne, %rem3A_103, %ne3A_104 : i32
      %lt3A_106 = arith.constant 0 : i32
      %lt3A_107 = arith.cmpi slt, %rem3A_103, %lt3A_106 : i32
      %lt3A_108 = arith.constant 0 : i32
      %lt3A_109 = arith.cmpi slt, %select_n3A_102, %lt3A_108 : i32
      %ne3A_110 = arith.xori %lt3A_107, %lt3A_109 : i1
      %and3A_111 = arith.andi %ne3A_110, %ne3A_105 : i1
      %add3A_112 = arith.addi %rem3A_103, %select_n3A_102 : i32
      %select_n3A_113 = arith.select %and3A_111, %add3A_112, %rem3A_103 : i32
      %jit3A_114 = arith.constant 3 : i32
      %eq3A_115 = arith.constant 0 : i32
      %eq3A_116 = arith.cmpi eq, %jit3A_114, %eq3A_115 : i32
      %jit3A_117 = arith.constant 1 : i32
      %select_n3A_118 = arith.select %eq3A_116, %jit3A_117, %jit3A_114 : i32
      %rem3A_119 = arith.remsi %scan3A_33, %select_n3A_118 : i32
      %ne3A_120 = arith.constant 0 : i32
      %ne3A_121 = arith.cmpi ne, %rem3A_119, %ne3A_120 : i32
      %lt3A_122 = arith.constant 0 : i32
      %lt3A_123 = arith.cmpi slt, %rem3A_119, %lt3A_122 : i32
      %lt3A_124 = arith.constant 0 : i32
      %lt3A_125 = arith.cmpi slt, %select_n3A_118, %lt3A_124 : i32
      %ne3A_126 = arith.xori %lt3A_123, %lt3A_125 : i1
      %and3A_127 = arith.andi %ne3A_126, %ne3A_121 : i1
      %add3A_128 = arith.addi %rem3A_119, %select_n3A_118 : i32
      %select_n3A_129 = arith.select %and3A_127, %add3A_128, %rem3A_119 : i32
      %eq3A_130 = arith.constant 0 : i32
      %eq3A_131 = arith.cmpi eq, %select_n3A_129, %eq3A_130 : i32
      %convert_element_type3A_132 = arith.extui %eq3A_131 : i1 to i32
      %cond3A_133 = arith.constant 0 : i32
      %cond3A_134 = arith.cmpi ne, %convert_element_type3A_132, %cond3A_133 : i32
      scf.if %cond3A_134 {
        %jit3A_177 = arith.constant 2 : i32
        %eq3A_178 = arith.constant 0 : i32
        %eq3A_179 = arith.cmpi eq, %jit3A_177, %eq3A_178 : i32
        %jit3A_180 = arith.constant 1 : i32
        %select_n3A_181 = arith.select %eq3A_179, %jit3A_180, %jit3A_177 : i32
        %rem3A_182 = arith.remsi %select_n3A, %select_n3A_181 : i32
        %ne3A_183 = arith.constant 0 : i32
        %ne3A_184 = arith.cmpi ne, %rem3A_182, %ne3A_183 : i32
        %lt3A_185 = arith.constant 0 : i32
        %lt3A_186 = arith.cmpi slt, %rem3A_182, %lt3A_185 : i32
        %lt3A_187 = arith.constant 0 : i32
        %lt3A_188 = arith.cmpi slt, %select_n3A_181, %lt3A_187 : i32
        %ne3A_189 = arith.xori %lt3A_186, %lt3A_188 : i1
        %and3A_190 = arith.andi %ne3A_189, %ne3A_184 : i1
        %add3A_191 = arith.addi %rem3A_182, %select_n3A_181 : i32
        %select_n3A_192 = arith.select %and3A_190, %add3A_191, %rem3A_182 : i32
        %dma_wait3A = arith.constant 0 : i32
        %dma_wait3A_193 = arith.constant 0 : i32
        %dma_wait3A_194 = tpu.memref_slice %arg6[%select_n3A_192, %dma_wait3A, %select_n3A_63, %dma_wait3A_193] : memref<2x2x25x80xi32, #tpu.memory_space<vmem>> -> memref<1x1x1x80xi32, #tpu.memory_space<vmem>>
        %dma_wait3A_195 = tpu.memref_squeeze %dma_wait3A_194 : memref<1x1x1x80xi32, #tpu.memory_space<vmem>> -> memref<80xi32, #tpu.memory_space<vmem>>
        %dma_wait3A_196 = arith.constant 0 : i32
        %dma_wait3A_197 = arith.constant 0 : i32
        %dma_wait3A_198 = tpu.memref_slice %arg2[%dma_wait3A_196, %dma_wait3A_197] : memref<10000x128xf32, #tpu.memory_space<hbm>> -> memref<10000x128xf32, #tpu.memory_space<hbm>>
        tpu.wait_indirect_dma semaphore(%arg11 : memref<!tpu.dma_semaphore, #tpu.memory_space<semaphore_mem>>) src(%dma_wait3A_198 : memref<10000x128xf32, #tpu.memory_space<hbm>>) dst(%arg7 : memref<80x128xf32, #tpu.memory_space<vmem>>)
        %lt3A_199 = arith.constant 125 : i32
        %lt3A_200 = arith.cmpi slt, %add3A_73, %lt3A_199 : i32
        %convert_element_type3A_201 = arith.extui %lt3A_200 : i1 to i32
        %cond3A_202 = arith.constant 0 : i32
        %cond3A_203 = arith.cmpi ne, %convert_element_type3A_201, %cond3A_202 : i32
        scf.if %cond3A_203 {
          %jit3A_221 = arith.constant 2 : i32
          %eq3A_222 = arith.constant 0 : i32
          %eq3A_223 = arith.cmpi eq, %jit3A_221, %eq3A_222 : i32
          %jit3A_224 = arith.constant 1 : i32
          %select_n3A_225 = arith.select %eq3A_223, %jit3A_224, %jit3A_221 : i32
          %rem3A_226 = arith.remsi %select_n3A_97, %select_n3A_225 : i32
          %ne3A_227 = arith.constant 0 : i32
          %ne3A_228 = arith.cmpi ne, %rem3A_226, %ne3A_227 : i32
          %lt3A_229 = arith.constant 0 : i32
          %lt3A_230 = arith.cmpi slt, %rem3A_226, %lt3A_229 : i32
          %lt3A_231 = arith.constant 0 : i32
          %lt3A_232 = arith.cmpi slt, %select_n3A_225, %lt3A_231 : i32
          %ne3A_233 = arith.xori %lt3A_230, %lt3A_232 : i1
          %and3A_234 = arith.andi %ne3A_233, %ne3A_228 : i1
          %add3A_235 = arith.addi %rem3A_226, %select_n3A_225 : i32
          %select_n3A_236 = arith.select %and3A_234, %add3A_235, %rem3A_226 : i32
          %dma_start3A_237 = arith.constant 0 : i32
          %dma_start3A_238 = arith.constant 0 : i32
          %dma_start3A_239 = tpu.memref_slice %arg6[%select_n3A_236, %dma_start3A_237, %select_n3A_113, %dma_start3A_238] : memref<2x2x25x80xi32, #tpu.memory_space<vmem>> -> memref<1x1x1x80xi32, #tpu.memory_space<vmem>>
          %dma_start3A_240 = tpu.memref_squeeze %dma_start3A_239 : memref<1x1x1x80xi32, #tpu.memory_space<vmem>> -> memref<80xi32, #tpu.memory_space<vmem>>
          %dma_start3A_241 = arith.constant 0 : i32
          %dma_start3A_242 = arith.constant 0 : i32
          %dma_start3A_243 = tpu.memref_slice %arg2[%dma_start3A_241, %dma_start3A_242] : memref<10000x128xf32, #tpu.memory_space<hbm>> -> memref<10000x128xf32, #tpu.memory_space<hbm>>
          tpu.enqueue_indirect_dma source(%dma_start3A_243 : memref<10000x128xf32, #tpu.memory_space<hbm>>) target(%arg9 : memref<80x128xf32, #tpu.memory_space<vmem>>) offsets(%dma_start3A_240 : memref<80xi32, #tpu.memory_space<vmem>>) semaphore(%arg13 : memref<!tpu.dma_semaphore, #tpu.memory_space<semaphore_mem>>)
        } else {
        }
        %jit3A_204 = arith.constant 2 : i32
        %eq3A_205 = arith.constant 0 : i32
        %eq3A_206 = arith.cmpi eq, %jit3A_204, %eq3A_205 : i32
        %jit3A_207 = arith.constant 1 : i32
        %select_n3A_208 = arith.select %eq3A_206, %jit3A_207, %jit3A_204 : i32
        %rem3A_209 = arith.remsi %select_n3A, %select_n3A_208 : i32
        %ne3A_210 = arith.constant 0 : i32
        %ne3A_211 = arith.cmpi ne, %rem3A_209, %ne3A_210 : i32
        %lt3A_212 = arith.constant 0 : i32
        %lt3A_213 = arith.cmpi slt, %rem3A_209, %lt3A_212 : i32
        %lt3A_214 = arith.constant 0 : i32
        %lt3A_215 = arith.cmpi slt, %select_n3A_208, %lt3A_214 : i32
        %ne3A_216 = arith.xori %lt3A_213, %lt3A_215 : i1
        %and3A_217 = arith.andi %ne3A_216, %ne3A_211 : i1
        %add3A_218 = arith.addi %rem3A_209, %select_n3A_208 : i32
        %select_n3A_219 = arith.select %and3A_217, %add3A_218, %rem3A_209 : i32
        %run_scoped3A_220 = arith.constant 1 : i32
        "tpu.region"() ({
          %run_scoped3A_221 = tpu.sem_alloc : memref<!tpu.dma_semaphore, #tpu.memory_space<semaphore_mem>>
          %dma_start3A_222 = arith.constant 0 : i32
          %dma_start3A_223 = tpu.memref_slice %arg6[%select_n3A_219, %run_scoped3A_220, %select_n3A_63, %dma_start3A_222] : memref<2x2x25x80xi32, #tpu.memory_space<vmem>> -> memref<1x1x1x80xi32, #tpu.memory_space<vmem>>
          %dma_start3A_224 = tpu.memref_squeeze %dma_start3A_223 : memref<1x1x1x80xi32, #tpu.memory_space<vmem>> -> memref<80xi32, #tpu.memory_space<vmem>>
          %dma_start3A_225 = arith.constant 0 : i32
          %dma_start3A_226 = arith.constant 0 : i32
          %dma_start3A_227 = tpu.memref_slice %arg10[%dma_start3A_225, %dma_start3A_226] : memref<10240x128xf32, #tpu.memory_space<vmem_shared>> -> memref<10240x128xf32, #tpu.memory_space<vmem_shared>>
          tpu.enqueue_indirect_dma source(%arg7 : memref<80x128xf32, #tpu.memory_space<vmem>>) target(%dma_start3A_227 : memref<10240x128xf32, #tpu.memory_space<vmem_shared>>) offsets(%dma_start3A_224 : memref<80xi32, #tpu.memory_space<vmem>>) semaphore(%run_scoped3A_221 : memref<!tpu.dma_semaphore, #tpu.memory_space<semaphore_mem>>) {add = true}
          %dma_wait3A_228 = arith.constant 0 : i32
          %dma_wait3A_229 = tpu.memref_slice %arg6[%select_n3A_219, %run_scoped3A_220, %select_n3A_63, %dma_wait3A_228] : memref<2x2x25x80xi32, #tpu.memory_space<vmem>> -> memref<1x1x1x80xi32, #tpu.memory_space<vmem>>
          %dma_wait3A_230 = tpu.memref_squeeze %dma_wait3A_229 : memref<1x1x1x80xi32, #tpu.memory_space<vmem>> -> memref<80xi32, #tpu.memory_space<vmem>>
          %dma_wait3A_231 = arith.constant 0 : i32
          %dma_wait3A_232 = arith.constant 0 : i32
          %dma_wait3A_233 = tpu.memref_slice %arg10[%dma_wait3A_231, %dma_wait3A_232] : memref<10240x128xf32, #tpu.memory_space<vmem_shared>> -> memref<10240x128xf32, #tpu.memory_space<vmem_shared>>
          tpu.wait_indirect_dma semaphore(%run_scoped3A_221 : memref<!tpu.dma_semaphore, #tpu.memory_space<semaphore_mem>>) src(%arg7 : memref<80x128xf32, #tpu.memory_space<vmem>>) dst(%dma_wait3A_233 : memref<10240x128xf32, #tpu.memory_space<vmem_shared>>)
          tpu.yield
        }) : () -> ()
      } else {
      }
      %jit3A_135 = arith.constant 3 : i32
      %eq3A_136 = arith.constant 0 : i32
      %eq3A_137 = arith.cmpi eq, %jit3A_135, %eq3A_136 : i32
      %jit3A_138 = arith.constant 1 : i32
      %select_n3A_139 = arith.select %eq3A_137, %jit3A_138, %jit3A_135 : i32
      %rem3A_140 = arith.remsi %scan3A_33, %select_n3A_139 : i32
      %ne3A_141 = arith.constant 0 : i32
      %ne3A_142 = arith.cmpi ne, %rem3A_140, %ne3A_141 : i32
      %lt3A_143 = arith.constant 0 : i32
      %lt3A_144 = arith.cmpi slt, %rem3A_140, %lt3A_143 : i32
      %lt3A_145 = arith.constant 0 : i32
      %lt3A_146 = arith.cmpi slt, %select_n3A_139, %lt3A_145 : i32
      %ne3A_147 = arith.xori %lt3A_144, %lt3A_146 : i1
      %and3A_148 = arith.andi %ne3A_147, %ne3A_142 : i1
      %add3A_149 = arith.addi %rem3A_140, %select_n3A_139 : i32
      %select_n3A_150 = arith.select %and3A_148, %add3A_149, %rem3A_140 : i32
      %eq3A_151 = arith.constant 1 : i32
      %eq3A_152 = arith.cmpi eq, %select_n3A_150, %eq3A_151 : i32
      %convert_element_type3A_153 = arith.extui %eq3A_152 : i1 to i32
      %cond3A_154 = arith.constant 0 : i32
      %cond3A_155 = arith.cmpi ne, %convert_element_type3A_153, %cond3A_154 : i32
      scf.if %cond3A_155 {
        %jit3A_177 = arith.constant 2 : i32
        %eq3A_178 = arith.constant 0 : i32
        %eq3A_179 = arith.cmpi eq, %jit3A_177, %eq3A_178 : i32
        %jit3A_180 = arith.constant 1 : i32
        %select_n3A_181 = arith.select %eq3A_179, %jit3A_180, %jit3A_177 : i32
        %rem3A_182 = arith.remsi %select_n3A, %select_n3A_181 : i32
        %ne3A_183 = arith.constant 0 : i32
        %ne3A_184 = arith.cmpi ne, %rem3A_182, %ne3A_183 : i32
        %lt3A_185 = arith.constant 0 : i32
        %lt3A_186 = arith.cmpi slt, %rem3A_182, %lt3A_185 : i32
        %lt3A_187 = arith.constant 0 : i32
        %lt3A_188 = arith.cmpi slt, %select_n3A_181, %lt3A_187 : i32
        %ne3A_189 = arith.xori %lt3A_186, %lt3A_188 : i1
        %and3A_190 = arith.andi %ne3A_189, %ne3A_184 : i1
        %add3A_191 = arith.addi %rem3A_182, %select_n3A_181 : i32
        %select_n3A_192 = arith.select %and3A_190, %add3A_191, %rem3A_182 : i32
        %dma_wait3A = arith.constant 0 : i32
        %dma_wait3A_193 = arith.constant 0 : i32
        %dma_wait3A_194 = tpu.memref_slice %arg6[%select_n3A_192, %dma_wait3A, %select_n3A_63, %dma_wait3A_193] : memref<2x2x25x80xi32, #tpu.memory_space<vmem>> -> memref<1x1x1x80xi32, #tpu.memory_space<vmem>>
        %dma_wait3A_195 = tpu.memref_squeeze %dma_wait3A_194 : memref<1x1x1x80xi32, #tpu.memory_space<vmem>> -> memref<80xi32, #tpu.memory_space<vmem>>
        %dma_wait3A_196 = arith.constant 0 : i32
        %dma_wait3A_197 = arith.constant 0 : i32
        %dma_wait3A_198 = tpu.memref_slice %arg2[%dma_wait3A_196, %dma_wait3A_197] : memref<10000x128xf32, #tpu.memory_space<hbm>> -> memref<10000x128xf32, #tpu.memory_space<hbm>>
        tpu.wait_indirect_dma semaphore(%arg12 : memref<!tpu.dma_semaphore, #tpu.memory_space<semaphore_mem>>) src(%dma_wait3A_198 : memref<10000x128xf32, #tpu.memory_space<hbm>>) dst(%arg8 : memref<80x128xf32, #tpu.memory_space<vmem>>)
        %lt3A_199 = arith.constant 125 : i32
        %lt3A_200 = arith.cmpi slt, %add3A_73, %lt3A_199 : i32
        %convert_element_type3A_201 = arith.extui %lt3A_200 : i1 to i32
        %cond3A_202 = arith.constant 0 : i32
        %cond3A_203 = arith.cmpi ne, %convert_element_type3A_201, %cond3A_202 : i32
        scf.if %cond3A_203 {
          %jit3A_221 = arith.constant 2 : i32
          %eq3A_222 = arith.constant 0 : i32
          %eq3A_223 = arith.cmpi eq, %jit3A_221, %eq3A_222 : i32
          %jit3A_224 = arith.constant 1 : i32
          %select_n3A_225 = arith.select %eq3A_223, %jit3A_224, %jit3A_221 : i32
          %rem3A_226 = arith.remsi %select_n3A_97, %select_n3A_225 : i32
          %ne3A_227 = arith.constant 0 : i32
          %ne3A_228 = arith.cmpi ne, %rem3A_226, %ne3A_227 : i32
          %lt3A_229 = arith.constant 0 : i32
          %lt3A_230 = arith.cmpi slt, %rem3A_226, %lt3A_229 : i32
          %lt3A_231 = arith.constant 0 : i32
          %lt3A_232 = arith.cmpi slt, %select_n3A_225, %lt3A_231 : i32
          %ne3A_233 = arith.xori %lt3A_230, %lt3A_232 : i1
          %and3A_234 = arith.andi %ne3A_233, %ne3A_228 : i1
          %add3A_235 = arith.addi %rem3A_226, %select_n3A_225 : i32
          %select_n3A_236 = arith.select %and3A_234, %add3A_235, %rem3A_226 : i32
          %dma_start3A_237 = arith.constant 0 : i32
          %dma_start3A_238 = arith.constant 0 : i32
          %dma_start3A_239 = tpu.memref_slice %arg6[%select_n3A_236, %dma_start3A_237, %select_n3A_113, %dma_start3A_238] : memref<2x2x25x80xi32, #tpu.memory_space<vmem>> -> memref<1x1x1x80xi32, #tpu.memory_space<vmem>>
          %dma_start3A_240 = tpu.memref_squeeze %dma_start3A_239 : memref<1x1x1x80xi32, #tpu.memory_space<vmem>> -> memref<80xi32, #tpu.memory_space<vmem>>
          %dma_start3A_241 = arith.constant 0 : i32
          %dma_start3A_242 = arith.constant 0 : i32
          %dma_start3A_243 = tpu.memref_slice %arg2[%dma_start3A_241, %dma_start3A_242] : memref<10000x128xf32, #tpu.memory_space<hbm>> -> memref<10000x128xf32, #tpu.memory_space<hbm>>
          tpu.enqueue_indirect_dma source(%dma_start3A_243 : memref<10000x128xf32, #tpu.memory_space<hbm>>) target(%arg7 : memref<80x128xf32, #tpu.memory_space<vmem>>) offsets(%dma_start3A_240 : memref<80xi32, #tpu.memory_space<vmem>>) semaphore(%arg11 : memref<!tpu.dma_semaphore, #tpu.memory_space<semaphore_mem>>)
        } else {
        }
        %jit3A_204 = arith.constant 2 : i32
        %eq3A_205 = arith.constant 0 : i32
        %eq3A_206 = arith.cmpi eq, %jit3A_204, %eq3A_205 : i32
        %jit3A_207 = arith.constant 1 : i32
        %select_n3A_208 = arith.select %eq3A_206, %jit3A_207, %jit3A_204 : i32
        %rem3A_209 = arith.remsi %select_n3A, %select_n3A_208 : i32
        %ne3A_210 = arith.constant 0 : i32
        %ne3A_211 = arith.cmpi ne, %rem3A_209, %ne3A_210 : i32
        %lt3A_212 = arith.constant 0 : i32
        %lt3A_213 = arith.cmpi slt, %rem3A_209, %lt3A_212 : i32
        %lt3A_214 = arith.constant 0 : i32
        %lt3A_215 = arith.cmpi slt, %select_n3A_208, %lt3A_214 : i32
        %ne3A_216 = arith.xori %lt3A_213, %lt3A_215 : i1
        %and3A_217 = arith.andi %ne3A_216, %ne3A_211 : i1
        %add3A_218 = arith.addi %rem3A_209, %select_n3A_208 : i32
        %select_n3A_219 = arith.select %and3A_217, %add3A_218, %rem3A_209 : i32
        %run_scoped3A_220 = arith.constant 1 : i32
        "tpu.region"() ({
          %run_scoped3A_221 = tpu.sem_alloc : memref<!tpu.dma_semaphore, #tpu.memory_space<semaphore_mem>>
          %dma_start3A_222 = arith.constant 0 : i32
          %dma_start3A_223 = tpu.memref_slice %arg6[%select_n3A_219, %run_scoped3A_220, %select_n3A_63, %dma_start3A_222] : memref<2x2x25x80xi32, #tpu.memory_space<vmem>> -> memref<1x1x1x80xi32, #tpu.memory_space<vmem>>
          %dma_start3A_224 = tpu.memref_squeeze %dma_start3A_223 : memref<1x1x1x80xi32, #tpu.memory_space<vmem>> -> memref<80xi32, #tpu.memory_space<vmem>>
          %dma_start3A_225 = arith.constant 0 : i32
          %dma_start3A_226 = arith.constant 0 : i32
          %dma_start3A_227 = tpu.memref_slice %arg10[%dma_start3A_225, %dma_start3A_226] : memref<10240x128xf32, #tpu.memory_space<vmem_shared>> -> memref<10240x128xf32, #tpu.memory_space<vmem_shared>>
          tpu.enqueue_indirect_dma source(%arg8 : memref<80x128xf32, #tpu.memory_space<vmem>>) target(%dma_start3A_227 : memref<10240x128xf32, #tpu.memory_space<vmem_shared>>) offsets(%dma_start3A_224 : memref<80xi32, #tpu.memory_space<vmem>>) semaphore(%run_scoped3A_221 : memref<!tpu.dma_semaphore, #tpu.memory_space<semaphore_mem>>) {add = true}
          %dma_wait3A_228 = arith.constant 0 : i32
          %dma_wait3A_229 = tpu.memref_slice %arg6[%select_n3A_219, %run_scoped3A_220, %select_n3A_63, %dma_wait3A_228] : memref<2x2x25x80xi32, #tpu.memory_space<vmem>> -> memref<1x1x1x80xi32, #tpu.memory_space<vmem>>
          %dma_wait3A_230 = tpu.memref_squeeze %dma_wait3A_229 : memref<1x1x1x80xi32, #tpu.memory_space<vmem>> -> memref<80xi32, #tpu.memory_space<vmem>>
          %dma_wait3A_231 = arith.constant 0 : i32
          %dma_wait3A_232 = arith.constant 0 : i32
          %dma_wait3A_233 = tpu.memref_slice %arg10[%dma_wait3A_231, %dma_wait3A_232] : memref<10240x128xf32, #tpu.memory_space<vmem_shared>> -> memref<10240x128xf32, #tpu.memory_space<vmem_shared>>
          tpu.wait_indirect_dma semaphore(%run_scoped3A_221 : memref<!tpu.dma_semaphore, #tpu.memory_space<semaphore_mem>>) src(%arg8 : memref<80x128xf32, #tpu.memory_space<vmem>>) dst(%dma_wait3A_233 : memref<10240x128xf32, #tpu.memory_space<vmem_shared>>)
          tpu.yield
        }) : () -> ()
      } else {
      }
      %jit3A_156 = arith.constant 3 : i32
      %eq3A_157 = arith.constant 0 : i32
      %eq3A_158 = arith.cmpi eq, %jit3A_156, %eq3A_157 : i32
      %jit3A_159 = arith.constant 1 : i32
      %select_n3A_160 = arith.select %eq3A_158, %jit3A_159, %jit3A_156 : i32
      %rem3A_161 = arith.remsi %scan3A_33, %select_n3A_160 : i32
      %ne3A_162 = arith.constant 0 : i32
      %ne3A_163 = arith.cmpi ne, %rem3A_161, %ne3A_162 : i32
      %lt3A_164 = arith.constant 0 : i32
      %lt3A_165 = arith.cmpi slt, %rem3A_161, %lt3A_164 : i32
      %lt3A_166 = arith.constant 0 : i32
      %lt3A_167 = arith.cmpi slt, %select_n3A_160, %lt3A_166 : i32
      %ne3A_168 = arith.xori %lt3A_165, %lt3A_167 : i1
      %and3A_169 = arith.andi %ne3A_168, %ne3A_163 : i1
      %add3A_170 = arith.addi %rem3A_161, %select_n3A_160 : i32
      %select_n3A_171 = arith.select %and3A_169, %add3A_170, %rem3A_161 : i32
      %eq3A_172 = arith.constant 2 : i32
      %eq3A_173 = arith.cmpi eq, %select_n3A_171, %eq3A_172 : i32
      %convert_element_type3A_174 = arith.extui %eq3A_173 : i1 to i32
      %cond3A_175 = arith.constant 0 : i32
      %cond3A_176 = arith.cmpi ne, %convert_element_type3A_174, %cond3A_175 : i32
      scf.if %cond3A_176 {
        %jit3A_177 = arith.constant 2 : i32
        %eq3A_178 = arith.constant 0 : i32
        %eq3A_179 = arith.cmpi eq, %jit3A_177, %eq3A_178 : i32
        %jit3A_180 = arith.constant 1 : i32
        %select_n3A_181 = arith.select %eq3A_179, %jit3A_180, %jit3A_177 : i32
        %rem3A_182 = arith.remsi %select_n3A, %select_n3A_181 : i32
        %ne3A_183 = arith.constant 0 : i32
        %ne3A_184 = arith.cmpi ne, %rem3A_182, %ne3A_183 : i32
        %lt3A_185 = arith.constant 0 : i32
        %lt3A_186 = arith.cmpi slt, %rem3A_182, %lt3A_185 : i32
        %lt3A_187 = arith.constant 0 : i32
        %lt3A_188 = arith.cmpi slt, %select_n3A_181, %lt3A_187 : i32
        %ne3A_189 = arith.xori %lt3A_186, %lt3A_188 : i1
        %and3A_190 = arith.andi %ne3A_189, %ne3A_184 : i1
        %add3A_191 = arith.addi %rem3A_182, %select_n3A_181 : i32
        %select_n3A_192 = arith.select %and3A_190, %add3A_191, %rem3A_182 : i32
        %dma_wait3A = arith.constant 0 : i32
        %dma_wait3A_193 = arith.constant 0 : i32
        %dma_wait3A_194 = tpu.memref_slice %arg6[%select_n3A_192, %dma_wait3A, %select_n3A_63, %dma_wait3A_193] : memref<2x2x25x80xi32, #tpu.memory_space<vmem>> -> memref<1x1x1x80xi32, #tpu.memory_space<vmem>>
        %dma_wait3A_195 = tpu.memref_squeeze %dma_wait3A_194 : memref<1x1x1x80xi32, #tpu.memory_space<vmem>> -> memref<80xi32, #tpu.memory_space<vmem>>
        %dma_wait3A_196 = arith.constant 0 : i32
        %dma_wait3A_197 = arith.constant 0 : i32
        %dma_wait3A_198 = tpu.memref_slice %arg2[%dma_wait3A_196, %dma_wait3A_197] : memref<10000x128xf32, #tpu.memory_space<hbm>> -> memref<10000x128xf32, #tpu.memory_space<hbm>>
        tpu.wait_indirect_dma semaphore(%arg13 : memref<!tpu.dma_semaphore, #tpu.memory_space<semaphore_mem>>) src(%dma_wait3A_198 : memref<10000x128xf32, #tpu.memory_space<hbm>>) dst(%arg9 : memref<80x128xf32, #tpu.memory_space<vmem>>)
        %lt3A_199 = arith.constant 125 : i32
        %lt3A_200 = arith.cmpi slt, %add3A_73, %lt3A_199 : i32
        %convert_element_type3A_201 = arith.extui %lt3A_200 : i1 to i32
        %cond3A_202 = arith.constant 0 : i32
        %cond3A_203 = arith.cmpi ne, %convert_element_type3A_201, %cond3A_202 : i32
        scf.if %cond3A_203 {
          %jit3A_221 = arith.constant 2 : i32
          %eq3A_222 = arith.constant 0 : i32
          %eq3A_223 = arith.cmpi eq, %jit3A_221, %eq3A_222 : i32
          %jit3A_224 = arith.constant 1 : i32
          %select_n3A_225 = arith.select %eq3A_223, %jit3A_224, %jit3A_221 : i32
          %rem3A_226 = arith.remsi %select_n3A_97, %select_n3A_225 : i32
          %ne3A_227 = arith.constant 0 : i32
          %ne3A_228 = arith.cmpi ne, %rem3A_226, %ne3A_227 : i32
          %lt3A_229 = arith.constant 0 : i32
          %lt3A_230 = arith.cmpi slt, %rem3A_226, %lt3A_229 : i32
          %lt3A_231 = arith.constant 0 : i32
          %lt3A_232 = arith.cmpi slt, %select_n3A_225, %lt3A_231 : i32
          %ne3A_233 = arith.xori %lt3A_230, %lt3A_232 : i1
          %and3A_234 = arith.andi %ne3A_233, %ne3A_228 : i1
          %add3A_235 = arith.addi %rem3A_226, %select_n3A_225 : i32
          %select_n3A_236 = arith.select %and3A_234, %add3A_235, %rem3A_226 : i32
          %dma_start3A_237 = arith.constant 0 : i32
          %dma_start3A_238 = arith.constant 0 : i32
          %dma_start3A_239 = tpu.memref_slice %arg6[%select_n3A_236, %dma_start3A_237, %select_n3A_113, %dma_start3A_238] : memref<2x2x25x80xi32, #tpu.memory_space<vmem>> -> memref<1x1x1x80xi32, #tpu.memory_space<vmem>>
          %dma_start3A_240 = tpu.memref_squeeze %dma_start3A_239 : memref<1x1x1x80xi32, #tpu.memory_space<vmem>> -> memref<80xi32, #tpu.memory_space<vmem>>
          %dma_start3A_241 = arith.constant 0 : i32
          %dma_start3A_242 = arith.constant 0 : i32
          %dma_start3A_243 = tpu.memref_slice %arg2[%dma_start3A_241, %dma_start3A_242] : memref<10000x128xf32, #tpu.memory_space<hbm>> -> memref<10000x128xf32, #tpu.memory_space<hbm>>
          tpu.enqueue_indirect_dma source(%dma_start3A_243 : memref<10000x128xf32, #tpu.memory_space<hbm>>) target(%arg8 : memref<80x128xf32, #tpu.memory_space<vmem>>) offsets(%dma_start3A_240 : memref<80xi32, #tpu.memory_space<vmem>>) semaphore(%arg12 : memref<!tpu.dma_semaphore, #tpu.memory_space<semaphore_mem>>)
        } else {
        }
        %jit3A_204 = arith.constant 2 : i32
        %eq3A_205 = arith.constant 0 : i32
        %eq3A_206 = arith.cmpi eq, %jit3A_204, %eq3A_205 : i32
        %jit3A_207 = arith.constant 1 : i32
        %select_n3A_208 = arith.select %eq3A_206, %jit3A_207, %jit3A_204 : i32
        %rem3A_209 = arith.remsi %select_n3A, %select_n3A_208 : i32
        %ne3A_210 = arith.constant 0 : i32
        %ne3A_211 = arith.cmpi ne, %rem3A_209, %ne3A_210 : i32
        %lt3A_212 = arith.constant 0 : i32
        %lt3A_213 = arith.cmpi slt, %rem3A_209, %lt3A_212 : i32
        %lt3A_214 = arith.constant 0 : i32
        %lt3A_215 = arith.cmpi slt, %select_n3A_208, %lt3A_214 : i32
        %ne3A_216 = arith.xori %lt3A_213, %lt3A_215 : i1
        %and3A_217 = arith.andi %ne3A_216, %ne3A_211 : i1
        %add3A_218 = arith.addi %rem3A_209, %select_n3A_208 : i32
        %select_n3A_219 = arith.select %and3A_217, %add3A_218, %rem3A_209 : i32
        %run_scoped3A_220 = arith.constant 1 : i32
        "tpu.region"() ({
          %run_scoped3A_221 = tpu.sem_alloc : memref<!tpu.dma_semaphore, #tpu.memory_space<semaphore_mem>>
          %dma_start3A_222 = arith.constant 0 : i32
          %dma_start3A_223 = tpu.memref_slice %arg6[%select_n3A_219, %run_scoped3A_220, %select_n3A_63, %dma_start3A_222] : memref<2x2x25x80xi32, #tpu.memory_space<vmem>> -> memref<1x1x1x80xi32, #tpu.memory_space<vmem>>
          %dma_start3A_224 = tpu.memref_squeeze %dma_start3A_223 : memref<1x1x1x80xi32, #tpu.memory_space<vmem>> -> memref<80xi32, #tpu.memory_space<vmem>>
          %dma_start3A_225 = arith.constant 0 : i32
          %dma_start3A_226 = arith.constant 0 : i32
          %dma_start3A_227 = tpu.memref_slice %arg10[%dma_start3A_225, %dma_start3A_226] : memref<10240x128xf32, #tpu.memory_space<vmem_shared>> -> memref<10240x128xf32, #tpu.memory_space<vmem_shared>>
          tpu.enqueue_indirect_dma source(%arg9 : memref<80x128xf32, #tpu.memory_space<vmem>>) target(%dma_start3A_227 : memref<10240x128xf32, #tpu.memory_space<vmem_shared>>) offsets(%dma_start3A_224 : memref<80xi32, #tpu.memory_space<vmem>>) semaphore(%run_scoped3A_221 : memref<!tpu.dma_semaphore, #tpu.memory_space<semaphore_mem>>) {add = true}
          %dma_wait3A_228 = arith.constant 0 : i32
          %dma_wait3A_229 = tpu.memref_slice %arg6[%select_n3A_219, %run_scoped3A_220, %select_n3A_63, %dma_wait3A_228] : memref<2x2x25x80xi32, #tpu.memory_space<vmem>> -> memref<1x1x1x80xi32, #tpu.memory_space<vmem>>
          %dma_wait3A_230 = tpu.memref_squeeze %dma_wait3A_229 : memref<1x1x1x80xi32, #tpu.memory_space<vmem>> -> memref<80xi32, #tpu.memory_space<vmem>>
          %dma_wait3A_231 = arith.constant 0 : i32
          %dma_wait3A_232 = arith.constant 0 : i32
          %dma_wait3A_233 = tpu.memref_slice %arg10[%dma_wait3A_231, %dma_wait3A_232] : memref<10240x128xf32, #tpu.memory_space<vmem_shared>> -> memref<10240x128xf32, #tpu.memory_space<vmem_shared>>
          tpu.wait_indirect_dma semaphore(%run_scoped3A_221 : memref<!tpu.dma_semaphore, #tpu.memory_space<semaphore_mem>>) src(%arg9 : memref<80x128xf32, #tpu.memory_space<vmem>>) dst(%dma_wait3A_233 : memref<10240x128xf32, #tpu.memory_space<vmem_shared>>)
          tpu.yield
        }) : () -> ()
      } else {
      }
    }
    %scan3A_27 = arith.constant 125 : i32
    %barrier3A_28 = arith.constant 0 : index
    tpu.barrier barrier_id(%barrier3A_28)
    %mul3A_29 = arith.constant 640 : i32
    %mul3A_30 = arith.muli %arg1, %mul3A_29 : i32
    %mul3A_31 = arith.constant 640 : i32
    %mul3A_32 = arith.muli %arg1, %mul3A_31 : i32
    "tpu.region"() ({
      %run_scoped3A_33 = tpu.sem_alloc : memref<!tpu.dma_semaphore, #tpu.memory_space<semaphore_mem>>
      %dma_start3A_34 = arith.constant 0 : i32
      %dma_start3A_35 = tpu.memref_slice %arg5[%arg0, %mul3A_32, %dma_start3A_34] : memref<2x10240x128xf32, #tpu.memory_space<hbm>> -> memref<1x640x128xf32, #tpu.memory_space<hbm>>
      %dma_start3A_36 = tpu.memref_squeeze %dma_start3A_35 : memref<1x640x128xf32, #tpu.memory_space<hbm>> -> memref<640x128xf32, #tpu.memory_space<hbm>>
      %dma_start3A_37 = arith.constant 0 : i32
      %dma_start3A_38 = tpu.memref_slice %arg10[%mul3A_30, %dma_start3A_37] : memref<10240x128xf32, #tpu.memory_space<vmem_shared>> -> memref<640x128xf32, #tpu.memory_space<vmem_shared>>
      tpu.enqueue_dma source(%dma_start3A_38 : memref<640x128xf32, #tpu.memory_space<vmem_shared>>) target(%dma_start3A_36 : memref<640x128xf32, #tpu.memory_space<hbm>>) target_semaphore(%run_scoped3A_33 : memref<!tpu.dma_semaphore, #tpu.memory_space<semaphore_mem>>)
      %dma_wait3A = arith.constant 0 : i32
      %dma_wait3A_39 = tpu.memref_slice %arg5[%arg0, %mul3A_32, %dma_wait3A] : memref<2x10240x128xf32, #tpu.memory_space<hbm>> -> memref<1x640x128xf32, #tpu.memory_space<hbm>>
      %dma_wait3A_40 = tpu.memref_squeeze %dma_wait3A_39 : memref<1x640x128xf32, #tpu.memory_space<hbm>> -> memref<640x128xf32, #tpu.memory_space<hbm>>
      %dma_wait3A_41 = arith.constant 0 : i32
      %dma_wait3A_42 = tpu.memref_slice %arg10[%mul3A_30, %dma_wait3A_41] : memref<10240x128xf32, #tpu.memory_space<vmem_shared>> -> memref<640x128xf32, #tpu.memory_space<vmem_shared>>
      tpu.wait_dma2 semaphore(%run_scoped3A_33 : memref<!tpu.dma_semaphore, #tpu.memory_space<semaphore_mem>>) src(%dma_wait3A_42 : memref<640x128xf32, #tpu.memory_space<vmem_shared>>) dst(%dma_wait3A_40 : memref<640x128xf32, #tpu.memory_space<hbm>>)
      tpu.yield
    }) : () -> ()
    return
  }
}

module attributes {stable_mosaic.version = 14 : i64} {
  func.func @_tc1_body(%arg0: memref<10000x128xf32, #tpu.memory_space<vmem>>, %arg1: memref<128x128xf32, #tpu.memory_space<vmem>>, %arg2: memref<10000x2xf32, #tpu.memory_space<vmem>>, %arg3: memref<10000x128xf32, #tpu.memory_space<vmem>>) attributes {dimension_semantics = [], scalar_prefetch = 0 : i64, scratch_operands = 0 : i64, tpu.core_type = #tpu.core_type<tc>} {
    %get3A = arith.constant 0 : index
    %get3A_0 = arith.constant 0 : index
    %get3A_1 = vector.load %arg0[%get3A, %get3A_0] : memref<10000x128xf32, #tpu.memory_space<vmem>>, vector<10000x128xf32>
    %get3A_2 = arith.constant 0 : index
    %get3A_3 = arith.constant 0 : index
    %get3A_4 = vector.load %arg1[%get3A_2, %get3A_3] : memref<128x128xf32, #tpu.memory_space<vmem>>, vector<128x128xf32>
    %dot_general3A = arith.constant dense<0.000000e+00> : vector<10000x128xf32>
    %dot_general3A_5 = tpu.matmul %get3A_1, %get3A_4, %dot_general3A {dimension_numbers = #tpu.dot_dimension_numbers<[1], [0], [0], [1], [0, 0, 1, 1], [], []>, transpose_lhs_hint = false} : vector<10000x128xf32>, vector<128x128xf32>, vector<10000x128xf32> -> vector<10000x128xf32>
    %get3A_6 = arith.constant 0 : index
    %get3A_7 = arith.constant 0 : index
    %get3A_8 = vector.load %arg2[%get3A_6, %get3A_7] : memref<10000x2xf32, #tpu.memory_space<vmem>>, vector<10000x1xf32>
    %get3A_9 = arith.constant 0 : index
    %get3A_10 = arith.constant 1 : index
    %get3A_11 = vector.load %arg2[%get3A_9, %get3A_10] : memref<10000x2xf32, #tpu.memory_space<vmem>>, vector<10000x1xf32>
    %add3A = arith.addf %get3A_8, %get3A_11 : vector<10000x1xf32>
    %add3A_12 = arith.constant 1.000000e+00 : f32
    %add3A_13 = vector.broadcast %add3A_12 : f32 to vector<10000x1xf32>
    %add3A_14 = arith.addf %add3A, %add3A_13 : vector<10000x1xf32>
    %rsqrt3A = math.rsqrt %add3A_14 : vector<10000x1xf32>
    %mul3A = vector.broadcast %rsqrt3A : vector<10000x1xf32> to vector<10000x128xf32>
    %mul3A_15 = arith.mulf %dot_general3A_5, %mul3A : vector<10000x128xf32>
    %swap3A = arith.constant 0 : index
    %swap3A_16 = arith.constant 0 : index
    %swap3A_17 = vector.load %arg3[%swap3A, %swap3A_16] : memref<10000x128xf32, #tpu.memory_space<vmem>>, vector<10000x128xf32>
    tpu.vector_store %arg3[%swap3A, %swap3A_16], %mul3A_15 {strides = array<i32>} : memref<10000x128xf32, #tpu.memory_space<vmem>>, vector<10000x128xf32>,
    return
  }
}

module attributes {stable_mosaic.version = 14 : i64} {
  func.func @_tc2_body(%arg0: memref<2x10240x128xf32, #tpu.memory_space<vmem>>, %arg1: memref<10000x128xf32, #tpu.memory_space<vmem>>, %arg2: memref<10000x2xf32, #tpu.memory_space<vmem>>, %arg3: memref<1x128xf32, #tpu.memory_space<vmem>>, %arg4: memref<128x128xf32, #tpu.memory_space<vmem>>, %arg5: memref<10000x128xf32, #tpu.memory_space<vmem>>) attributes {dimension_semantics = [], scalar_prefetch = 0 : i64, scratch_operands = 0 : i64, tpu.core_type = #tpu.core_type<tc>} {
    %get3A = arith.constant 0 : index
    %get3A_0 = arith.constant 0 : index
    %get3A_1 = vector.load %arg2[%get3A, %get3A_0] : memref<10000x2xf32, #tpu.memory_space<vmem>>, vector<10000x1xf32>
    %get3A_2 = arith.constant 0 : index
    %get3A_3 = arith.constant 1 : index
    %get3A_4 = vector.load %arg2[%get3A_2, %get3A_3] : memref<10000x2xf32, #tpu.memory_space<vmem>>, vector<10000x1xf32>
    %add3A = arith.addf %get3A_1, %get3A_4 : vector<10000x1xf32>
    %add3A_5 = arith.constant 1.000000e+00 : f32
    %add3A_6 = vector.broadcast %add3A_5 : f32 to vector<10000x1xf32>
    %add3A_7 = arith.addf %add3A, %add3A_6 : vector<10000x1xf32>
    %rsqrt3A = math.rsqrt %add3A_7 : vector<10000x1xf32>
    %get3A_8 = arith.constant 0 : index
    %get3A_9 = arith.constant 0 : index
    %get3A_10 = arith.constant 0 : index
    %get3A_11 = vector.load %arg0[%get3A_8, %get3A_9, %get3A_10] : memref<2x10240x128xf32, #tpu.memory_space<vmem>>, vector<1x10000x128xf32>
    %get3A_12 = vector.shape_cast %get3A_11 : vector<1x10000x128xf32> to vector<10000x128xf32>
    %get3A_13 = arith.constant 1 : index
    %get3A_14 = arith.constant 0 : index
    %get3A_15 = arith.constant 0 : index
    %get3A_16 = vector.load %arg0[%get3A_13, %get3A_14, %get3A_15] : memref<2x10240x128xf32, #tpu.memory_space<vmem>>, vector<1x10000x128xf32>
    %get3A_17 = vector.shape_cast %get3A_16 : vector<1x10000x128xf32> to vector<10000x128xf32>
    %add3A_18 = arith.addf %get3A_12, %get3A_17 : vector<10000x128xf32>
    %get3A_19 = arith.constant 0 : index
    %get3A_20 = arith.constant 0 : index
    %get3A_21 = vector.load %arg1[%get3A_19, %get3A_20] : memref<10000x128xf32, #tpu.memory_space<vmem>>, vector<10000x128xf32>
    %add3A_22 = arith.addf %add3A_18, %get3A_21 : vector<10000x128xf32>
    %mul3A = vector.broadcast %rsqrt3A : vector<10000x1xf32> to vector<10000x128xf32>
    %mul3A_23 = arith.mulf %mul3A, %add3A_22 : vector<10000x128xf32>
    %get3A_24 = arith.constant 0 : index
    %get3A_25 = arith.constant 0 : index
    %get3A_26 = vector.load %arg3[%get3A_24, %get3A_25] : memref<1x128xf32, #tpu.memory_space<vmem>>, vector<1x128xf32>
    %add3A_27 = vector.broadcast %get3A_26 : vector<1x128xf32> to vector<10000x128xf32>
    %add3A_28 = arith.addf %mul3A_23, %add3A_27 : vector<10000x128xf32>
    %max3A = arith.constant 0.000000e+00 : f32
    %max3A_29 = vector.broadcast %max3A : f32 to vector<10000x128xf32>
    %max3A_30 = arith.maximumf %add3A_28, %max3A_29 : vector<10000x128xf32>
    %get3A_31 = arith.constant 0 : index
    %get3A_32 = arith.constant 0 : index
    %get3A_33 = vector.load %arg4[%get3A_31, %get3A_32] : memref<128x128xf32, #tpu.memory_space<vmem>>, vector<128x128xf32>
    %dot_general3A = arith.constant dense<0.000000e+00> : vector<10000x128xf32>
    %dot_general3A_34 = tpu.matmul %max3A_30, %get3A_33, %dot_general3A {dimension_numbers = #tpu.dot_dimension_numbers<[1], [0], [0], [1], [0, 0, 1, 1], [], []>, transpose_lhs_hint = false} : vector<10000x128xf32>, vector<128x128xf32>, vector<10000x128xf32> -> vector<10000x128xf32>
    %mul3A_35 = vector.broadcast %rsqrt3A : vector<10000x1xf32> to vector<10000x128xf32>
    %mul3A_36 = arith.mulf %dot_general3A_34, %mul3A_35 : vector<10000x128xf32>
    %swap3A = arith.constant 0 : index
    %swap3A_37 = arith.constant 0 : index
    %swap3A_38 = vector.load %arg5[%swap3A, %swap3A_37] : memref<10000x128xf32, #tpu.memory_space<vmem>>, vector<10000x128xf32>
    tpu.vector_store %arg5[%swap3A, %swap3A_37], %mul3A_36 {strides = array<i32>} : memref<10000x128xf32, #tpu.memory_space<vmem>>, vector<10000x128xf32>,
    return
  }
}

module attributes {stable_mosaic.version = 14 : i64} {
  func.func @_tc3_body(%arg0: memref<2x10240x128xf32, #tpu.memory_space<vmem>>, %arg1: memref<10000x128xf32, #tpu.memory_space<vmem>>, %arg2: memref<10000x2xf32, #tpu.memory_space<vmem>>, %arg3: memref<1x128xf32, #tpu.memory_space<vmem>>, %arg4: memref<10000x128xf32, #tpu.memory_space<vmem>>) attributes {dimension_semantics = [], scalar_prefetch = 0 : i64, scratch_operands = 0 : i64, tpu.core_type = #tpu.core_type<tc>} {
    %get3A = arith.constant 0 : index
    %get3A_0 = arith.constant 0 : index
    %get3A_1 = vector.load %arg2[%get3A, %get3A_0] : memref<10000x2xf32, #tpu.memory_space<vmem>>, vector<10000x1xf32>
    %get3A_2 = arith.constant 0 : index
    %get3A_3 = arith.constant 1 : index
    %get3A_4 = vector.load %arg2[%get3A_2, %get3A_3] : memref<10000x2xf32, #tpu.memory_space<vmem>>, vector<10000x1xf32>
    %add3A = arith.addf %get3A_1, %get3A_4 : vector<10000x1xf32>
    %add3A_5 = arith.constant 1.000000e+00 : f32
    %add3A_6 = vector.broadcast %add3A_5 : f32 to vector<10000x1xf32>
    %add3A_7 = arith.addf %add3A, %add3A_6 : vector<10000x1xf32>
    %rsqrt3A = math.rsqrt %add3A_7 : vector<10000x1xf32>
    %get3A_8 = arith.constant 0 : index
    %get3A_9 = arith.constant 0 : index
    %get3A_10 = arith.constant 0 : index
    %get3A_11 = vector.load %arg0[%get3A_8, %get3A_9, %get3A_10] : memref<2x10240x128xf32, #tpu.memory_space<vmem>>, vector<1x10000x128xf32>
    %get3A_12 = vector.shape_cast %get3A_11 : vector<1x10000x128xf32> to vector<10000x128xf32>
    %get3A_13 = arith.constant 1 : index
    %get3A_14 = arith.constant 0 : index
    %get3A_15 = arith.constant 0 : index
    %get3A_16 = vector.load %arg0[%get3A_13, %get3A_14, %get3A_15] : memref<2x10240x128xf32, #tpu.memory_space<vmem>>, vector<1x10000x128xf32>
    %get3A_17 = vector.shape_cast %get3A_16 : vector<1x10000x128xf32> to vector<10000x128xf32>
    %add3A_18 = arith.addf %get3A_12, %get3A_17 : vector<10000x128xf32>
    %get3A_19 = arith.constant 0 : index
    %get3A_20 = arith.constant 0 : index
    %get3A_21 = vector.load %arg1[%get3A_19, %get3A_20] : memref<10000x128xf32, #tpu.memory_space<vmem>>, vector<10000x128xf32>
    %add3A_22 = arith.addf %add3A_18, %get3A_21 : vector<10000x128xf32>
    %mul3A = vector.broadcast %rsqrt3A : vector<10000x1xf32> to vector<10000x128xf32>
    %mul3A_23 = arith.mulf %mul3A, %add3A_22 : vector<10000x128xf32>
    %get3A_24 = arith.constant 0 : index
    %get3A_25 = arith.constant 0 : index
    %get3A_26 = vector.load %arg3[%get3A_24, %get3A_25] : memref<1x128xf32, #tpu.memory_space<vmem>>, vector<1x128xf32>
    %add3A_27 = vector.broadcast %get3A_26 : vector<1x128xf32> to vector<10000x128xf32>
    %add3A_28 = arith.addf %mul3A_23, %add3A_27 : vector<10000x128xf32>
    %swap3A = arith.constant 0 : index
    %swap3A_29 = arith.constant 0 : index
    %swap3A_30 = vector.load %arg4[%swap3A, %swap3A_29] : memref<10000x128xf32, #tpu.memory_space<vmem>>, vector<10000x128xf32>
    tpu.vector_store %arg4[%swap3A, %swap3A_29], %add3A_28 {strides = array<i32>} : memref<10000x128xf32, #tpu.memory_space<vmem>>, vector<10000x128xf32>,
    return
  }
}

</mosaic_0001>

<sc_bundles>
// kernel: kernel.11.cloned.1.call-start
scs
__scs_entry_jumppad:
0x0: {  	(pc) =	sbr.rel $0x88, $3  }
0x1: {  	(tag) =	ssettag $0x0;
	lr =	simm.s32 $0x1  }
0x2: {  	[smem:$0x3F9B] =	sst lr;
	_ =	strace $0xD0000000  }
0x3: {  	_ = 	snop  }
0x4: {  	_ = 	snop  }
0x5: {  	_ = 	snop  }
0x6: {  	_ = 	snop  }
0x7: {  	_ = 	snop  }
__scs_overlays_trampoline_lowered:
0x8: {  	[smem:$0x3FAA] =	sst s0  }
0x9: {  	[smem:$0x3FAB] =	sst s1  }
0xa: {  	[smem:$0x3FAC] =	sst s2  }
0xb: {  	[smem:$0x3FAD] =	sst s3  }
0xc: {  	[smem:$0x3FAE] =	sst s4  }
0xd: {  	[smem:$0x3FAF] =	sst s5  }
0xe: {  	[smem:$0x3FB0] =	sst s6  }
0xf: {  	[smem:$0x3FB1] =	sst s7  }
0x10: {  	[smem:$0x3FB2] =	sst s8  }
0x11: {  	[smem:$0x3FB3] =	sst s9;
	s0 =	simm.s32 @!p0 $0x0  }
0x12: {  	s1 =	sld [smem:$0x3F99];
	s0 =	simm.s32 @p0 $0x1  }
0x13: {  	[smem:$0x3FB4] =	sst s0;
	s0 =	simm.s32 @!p1 $0x0  }
0x14: {  	s2 =	sld [smem:$0x3F98];
	s0 =	simm.s32 @p1 $0x1  }
0x15: {  	[smem:$0x3FB5] =	sst s0;
	s0 =	simm.s32 @!p2 $0x0  }
0x16: {  	s3 =	sld [smem:$0x3FDB];
	s0 =	simm.s32 @p2 $0x1  }
0x17: {  	s4 =	simm.s32 $0x1BF5;
	[smem:$0x3FB7] =	sst s0  }
0x18: {  	s0 =	sld [smem:$0x3F9A];
	_ =	swait.ge [sflag:s4], $0x0  }
0x19: {  	s7 =	sld [smem:$0x3F9B]  }
0x1a: {  	s8 =	sadd.s32 $0xFFFFE003, lr  }
0x1b: {  	s9 =	sadd.s32 $0xFFFFFEF7, lr;
	s5 =	simm.s32 $0xFFFFFFFF;
	p2 =	slt.u32 s8, $0xFFFFF086  }
0x1c: {  	p1 =	slt.u32 s9, $0xF7A;
	s5 =	simm.s32 @!p2 $0x0  }
0x1d: {  	s5 =	simm.s32 @p1 $0x1;
	p0 =	seq.s32 s7, s2  }
0x1e: {  	s7 =	smul.u32 @!p0 $0xF7A, s2;
	p2 =	seq.s32 @!p0 s5, $0x0  }
0x1f: {  	s9 =	smul.u32 $0xF7A, s1;
	s8 =	simm.s32 @!p0 $0x1BF5;
	p2 =	por !p2, p0  }
0x20: {  	[sflag:s8] =	ssyncset.s32 @!p0 $0xFFFFF086;
	s6 =	sadd.s32 @!p0 s3, s7;
	s7 =	simm.s32 @!p0 $0x108  }
0x21: {  	s3 =	sadd.s32 s3, s9;
	s6 =	sadd.s32 @!p0 $0x88, s6;
	s7 =	simm.s32 @p2 $0x1082  }
0x22: {  	[simem:s7], [sflag:s8] =	dma.local @!p0 [hbm:s6], $0xF7A  }
0x23: {  	s9 =	sor.u32 $0xD0000000, s2;
	s6 =	simm.s32 $0x108;
	_ =	swait.ge @!p0 [sflag:s8], $0x0  }
0x24: {  	s3 =	sadd.s32 $0x88, s3;
	s6 =	simm.s32 @!p1 $0x1082;
	[sflag:s4] =	ssyncset.s32 $0xFFFFF086  }
0x25: {  	[simem:s6], [sflag:s4] =	dma.local [hbm:s3], $0xF7A  }
0x26: {  	[smem:$0x3F9B] =	sst s1;
	(tag) =	ssettag s2;
	_ =	strace s9  }
0x27: {  	s1 =	sld [smem:$0x3FAB]  }
0x28: {  	s2 =	sld [smem:$0x3FAC]  }
0x29: {  	s4 =	sld [smem:$0x3FAE]  }
0x2a: {  	p0 =	seq.s32 s5, $0x0;
	s5 =	sld [smem:$0x3FAF]  }
0x2b: {  	s6 =	sld [smem:$0x3FB0]  }
0x2c: {  	s7 =	sld [smem:$0x3FB1]  }
0x2d: {  	s3 =	simm.s32 $0x108;
	s8 =	sld [smem:$0x3FB2]  }
0x2e: {  	s3 =	simm.s32 @!p0 $0x1082;
	s9 =	sld [smem:$0x3FB3]  }
0x2f: {  	lr =	sadd.s32 s0, s3;
	s0 =	sld [smem:$0x3FAA]  }
0x30: {  	s3 =	sld [smem:$0x3FAD]  }
0x31: {  	[smem:$0x3FB6] =	sst s10  }
0x32: {  	s10 =	sld [smem:$0x3FB4];
	_ =	sdelay $0x3  }
0x33: {  	p0 =	seq.s32 s10, $0x1;
	s10 =	sld [smem:$0x3FB6];
	_ =	sdelay $0x3  }
0x34: {  	[smem:$0x3FB6] =	sst s10  }
0x35: {  	s10 =	sld [smem:$0x3FB5];
	_ =	sdelay $0x3  }
0x36: {  	p1 =	seq.s32 s10, $0x1;
	s10 =	sld [smem:$0x3FB6];
	_ =	sdelay $0x3  }
0x37: {  	[smem:$0x3FB6] =	sst s10  }
0x38: {  	s10 =	sld [smem:$0x3FB7]  }
0x39: {  	_ = 	snop;
	(pc) =	sbr.ind lr, $3  }
0x3a: {  	_ = 	snop  }
0x3b: {  	_ = 	snop  }
0x3c: {  	p2 =	seq.s32 s10, $0x1;
	s10 =	sld [smem:$0x3FB6]  }
0x3d: {  	_ =	shalt  }
0x3e: {  	_ =	shalt  }
0x3f: {  	_ =	shalt  }
0x40: {  	_ =	shalt  }
0x41: {  	_ =	shalt  }
0x42: {  	_ =	shalt  }
0x43: {  	_ =	shalt  }
0x44: {  	_ =	shalt  }
0x45: {  	_ =	shalt  }
0x46: {  	_ =	shalt  }
0x47: {  	_ =	shalt  }
0x48: {  	_ =	shalt  }
0x49: {  	_ =	shalt  }
0x4a: {  	_ =	shalt  }
0x4b: {  	_ =	shalt  }
0x4c: {  	_ =	shalt  }
0x4d: {  	_ =	shalt  }
0x4e: {  	_ =	shalt  }
0x4f: {  	_ =	shalt  }
0x50: {  	_ =	shalt  }
0x51: {  	_ =	shalt  }
0x52: {  	_ =	shalt  }
0x53: {  	_ =	shalt  }
0x54: {  	_ =	shalt  }
0x55: {  	_ =	shalt  }
0x56: {  	_ =	shalt  }
0x57: {  	_ =	shalt  }
0x58: {  	_ =	shalt  }
0x59: {  	_ =	shalt  }
0x5a: {  	_ =	shalt  }
0x5b: {  	_ =	shalt  }
0x5c: {  	_ =	shalt  }
0x5d: {  	_ =	shalt  }
0x5e: {  	_ =	shalt  }
0x5f: {  	_ =	shalt  }
0x60: {  	_ =	shalt  }
0x61: {  	_ =	shalt  }
0x62: {  	_ =	shalt  }
0x63: {  	_ =	shalt  }
0x64: {  	_ =	shalt  }
0x65: {  	_ =	shalt  }
0x66: {  	_ =	shalt  }
0x67: {  	_ =	shalt  }
0x68: {  	_ =	shalt  }
0x69: {  	_ =	shalt  }
0x6a: {  	_ =	shalt  }
0x6b: {  	_ =	shalt  }
0x6c: {  	_ =	shalt  }
0x6d: {  	_ =	shalt  }
0x6e: {  	_ =	shalt  }
0x6f: {  	_ =	shalt  }
0x70: {  	_ =	shalt  }
0x71: {  	_ =	shalt  }
0x72: {  	_ =	shalt  }
0x73: {  	_ =	shalt  }
0x74: {  	_ =	shalt  }
0x75: {  	_ =	shalt  }
0x76: {  	_ =	shalt  }
0x77: {  	_ =	shalt  }
0x78: {  	_ =	shalt  }
0x79: {  	_ =	shalt  }
0x7a: {  	_ =	shalt  }
0x7b: {  	_ =	shalt  }
0x7c: {  	_ =	shalt  }
0x7d: {  	_ =	shalt  }
0x7e: {  	_ =	shalt  }
0x7f: {  	_ =	shalt  }
0x80: {  	_ =	shalt  }
0x81: {  	_ =	shalt  }
0x82: {  	_ =	shalt  }
0x83: {  	_ =	shalt  }
0x84: {  	_ =	shalt  }
0x85: {  	_ =	shalt  }
0x86: {  	_ =	shalt  }
0x87: {  	_ =	shalt  }
.Lfunc_end0:
.L_simem_size_0:
called_computation.1_lowered:
.L_overlay_start_0:
0x88: {  	s2 =	sld [smem:$0x3FD9]  }
0x89: {  	s3 =	sld [smem:$0x3FFE];
	_ =	sdelay $0x1  }
0x8a: {  	s1 =	srdreg.scid  }
0x8b: {  	s0 =	sand.u32 $0x1, s1  }
0x8c: {  	s17 =	sshll.u32 s0, $0xA;
	s2 =	sadd.s32 s3, s2  }
0x8d: {  	s2 =	sadd.s32 s2, s17  }
0x8e: {  	[smem:$0x3FC2] =	sst s2  }
0x8f: {  	_ = 	snop  }
0x90: {  	s2 =	sld [smem:$0x3FD0];
	(tm) =	ssettm $0x1  }
0x91: {  	s18 =	sld [smem:$0x3FFB];
	_ =	sdelay $0x3  }
0x92: {  	_ =	strace s18  }
0x93: {  	s3 =	sld [smem:$0x3FFC];
	_ =	sdelay $0x3  }
0x94: {  	_ =	strace s3  }
0x95: {  	s3 =	sld [smem:$0x3FFD];
	_ =	sdelay $0x3  }
0x96: {  	_ =	strace s3  }
0x97: {  	_ =	strace $0x8FFFFFFF  }
0x98: {  	s19 =	sld [smem:$0x3FDB];
	_ =	sdelay $0x1  }
0x99: {  	s4 =	simm.s32 $_scs_section_size  }
0x9a: {  	s5 =	simm.s32 $_size__tile_overlayer_lowered;
	s6 =	simm.s32 $_tile_overlayer_lowered  }
0x9b: {  	s22 =	simm.s32 $0x1BFF;
	s21 =	sshll.u32 s6, $0x1;
	s3 =	sadd.s32 s4, s19  }
0x9c: {  	s7 =	simm.s32 $0x0;
	s20 =	sshll.u32 s5, $0x1;
	s5 =	sadd.s32 s21, s3  }
0x9d: {  	[timem:s7], [sflag:s22] =	dma.local [hbm:s5], s20  }
0x9e: {  	_ =	swait.ge [sflag:s22], s20  }
0x9f: {  	s4 =	ssub.s32 $0x0, s20;
	[sflag:s22] =	ssyncset.done $0x0  }
0xa0: {  	[sflag:s22] =	ssyncadd.s32 s4;
	_ =	sdelay $0x1  }
0xa1: {  	s23 =	simm.s32 $0x1B8B  }
0xa2: {  	_ =	swait.ge [sflag:s23], $0x1  }
0xa3: {  	[sflag:s23] =	ssyncset.done $0x0  }
0xa4: {  	s25 =	simm.s32 $0x1B8E;
	s24 =	sld [smem:$0x3FFE];
	[sflag:s23] =	ssyncadd.s32 $0xFFFFFFFF  }
0xa5: {  	s26 =	simm.s32 $execute0_lowered;
	[smem:$0x3FD2] =	sst s25  }
0xa6: {  	s5 =	sshll.u32 s26, $0x1;
	_ =	strace $0x80000049;
	[dreg:$0x1] =	wrdreg $0xFFFFFFFF  }
0xa7: {  	s28 =	simm.s32 $_size_execute0_lowered;
	s3 =	sadd.s32 s3, s5;
	[dreg:$0x0] =	wrdreg $0x0  }
0xa8: {  	s5 =	sshll.u32 s28, $0x1;
	[dreg:$0x2] =	wrdreg s3  }
0xa9: {  	[dreg:$0x3] =	wrdreg s5  }
0xaa: {  	[dreg:$0x4] =	wrdreg $0xC0  }
0xab: {  	_ =	task [dreg:s7], $0x5FFFF  }
0xac: {  	[dreg:$0x1] =	wrdreg $0xFFFFFFFF  }
0xad: {  	[dreg:$0x0] =	wrdreg $0x60  }
0xae: {  	[dreg:$0x2] =	wrdreg s2  }
0xaf: {  	[dreg:$0x3] =	wrdreg s24  }
0xb0: {  	[dreg:$0x4] =	wrdreg $0xB8000  }
0xb1: {  	[dreg:$0x5] =	wrdreg $0x9  }
0xb2: {  	_ =	task.clear_ibuf [dreg:s7], $0x6FFFF;
	_ =	strace $0x90000049  }
0xb3: {  	s29 =	simm.s32 $0x9;
	_ =	strace $0x8000004B  }
0xb4: {  	_ =	swait.ge [sflag:s29], $0x1  }
0xb5: {  	[sflag:s29] =	ssyncadd.s32 $0xFFFFFFFF  }
0xb6: {  	_ =	strace $0x9000004B  }
0xb7: {  	_ =	sfence  }
0xb8: {  	s30 =	sld [smem:$0x0];
	_ =	sdelay $0x2  }
0xb9: {  	s31 =	sshll.u32 s1, $0xD;
	s1 =	sshrl.u32 s1, $0x2  }
0xba: {  	s3 =	sand.u32 $0x4000, s31;
	s1 =	sadd.s32 s1, s30  }
0xbb: {  	s0 =	sor.u32 s3, s0;
	s1 =	sshll.u32 s1, $0x11  }
0xbc: {  	s0 =	sor.u32 s1, s0  }
0xbd: {  	s0 =	sadd.s32 $0x8F2B, s0  }
0xbe: {  	[sflag:s0] =	ssyncadd.remote.s32 $0x1  }
0xbf: {  	_ =	sfence.sel $0xFFFF  }
0xc0: {  	[dreg:$0x0] =	wrdreg $0xFFFFFFFF;
	(pc) =	sbr.abs _section_cstart, $3  }
0xc1: {  	[dreg:$0x1] =	wrdreg $0xFFFFFFFF  }
0xc2: {  	_ =	task.clear_ibuf [dreg:s7], $0x2FFFF;
	_ =	strace $0x9FFFFFFF  }
0xc3: {  	(tm) =	ssettm $0x7FFFFFFF  }
tec
execute0_lowered:
.L_overlay_start_1:
0x0: {  	(tag) =	ssettag $0x1  }
0x1: {  	s2 =	rddreg [dreg:$0x0]  }
0x2: {  	s0 =	rddreg [dreg:$0x1]  }
0x3: {  	s3 =	rddreg [dreg:$0x2]  }
0x4: {  	s1 =	stileid.u32;
	s5 =	srdreg.scid;
	s4 =	simm.s32 $0x0  }
0x5: {  	s13 =	simm.s32 $0x4;
	s16 =	simm.s32 $0x50;
	s17 =	simm.s32 $0x4000  }
0x6: {  	s19 =	simm.s32 $0x6800;
	s20 =	simm.s32 $0x3;
	s21 =	simm.s32 $0x9000  }
0x7: {  	s22 =	simm.s32 $0x2;
	s23 =	simm.s32 $0x1;
	s6 =	smul.u32 $0x14000, s1  }
0x8: {  	s24 =	simm.s32 $0x0;
	s7 =	sand.u32 $0x1, s5;
	s10 =	smul.u32 $0x50000, s1  }
0x9: {  	[smem:$0x7FF] =	sst s4;
	s5 =	sadd.s32 $0x79A00, s0;
	s8 =	smul.u32 $0x140000, s7  }
0xa: {  	s30 =	sshll.u32 s1, $0x6;
	_ =	strace $0x8000004A;
	s25 =	sshll.u32 s7, $0x4  }
0xb: {  	s9 =	sshrl.u32 s6, $0x3;
	s6 =	sadd.s32 s6, s8;
	s8 =	sor.u32 s1, s25  }
0xc: {  	s7 =	ssub.s32 $0x2, s7;
	s11 =	sshrl.u32 s6, $0x3;
	s6 =	smul.u32 $0xA000, s8  }
.Ltmp0:
0xd: {  	s12 =	sshrl.u32 s7, $0x1;
	s28 =	sshrl.u32 s10, $0x2;
	(pc) =	sbr.rel .LBB2_1-.Ltmp0, $4  }
0xe: {  	s9 =	sadd.s32 s9, s0;
	s26 =	ssub.s32 s7, s12;
	s29 =	sadd.s32 s28, s3  }
0xf: {  	s7 =	sadd.s32 $0x1A00, s9;
	s8 =	sor.u32 $0x1C04, s30;
	s31 =	sshrl.u32 s6, $0x3  }
0x10: {  	s12 =	sshrl.u32 s29, $0x3;
	s0 =	sadd.s32 s11, s0;
	s9 =	sadd.s32 s5, s31  }
0x11: {  	s11 =	smax.u32 s26, $0x1;
	s10 =	sadd.s32 $0x29A00, s0;
	s14 =	sadd.s32 $0x200, s9  }
.LBB2_8:
0x12: {  	s24 =	sadd.s32 $0x1, s24  }
0x13: {  	p0 =	sne.s32 s24, s11  }
.Ltmp1:
0x14: {  	[bflag:$0x0] =	sbarrier.arrive $0xFFFF;
	(pc) =	sbr.rel @!p0 .LBB2_9-.Ltmp1, $4  }
0x15: {  	[hbm:s10], [sflag:s8] =	dma.local [spmem:s12], $0x2800  }
0x16: {  	_ =	swait.ge [sflag:s13], $0x2800  }
0x17: {  	[sflag:s13] =	ssyncset.done $0x0  }
0x18: {  	[sflag:s13] =	ssyncadd.s32 $0xFFFFD800  }
.LBB2_1:
0x19: {  	[spmem:s12], [sflag:s8] =	dma.local [hbm:s7], $0x2800  }
0x1a: {  	_ =	swait.ge [sflag:s13], $0x2800  }
0x1b: {  	[sflag:s13] =	ssyncset.done $0x0  }
0x1c: {  	[sflag:s13] =	ssyncadd.s32 $0xFFFFD800  }
0x1d: {  	[tilespmem:s4], [sflag:$0x4] =	stream.linear.gather [hbm4b:s9+s4], $0xC80, $0x38;
	[tilespmem:$0x1F800] =	vst v63  }
0x1e: {  	s0 =	simm.s32 $0x1000  }
0x1f: {  	[tilespmem:s0], [sflag:$0x4] =	stream.linear.gather [hbm4b:s14+s4], $0xC80, $0x38;
	[tilespmem:$0x1F800] =	vst v63  }
0x20: {  	_ =	swait.ge [sflag:s13], $0x1900  }
0x21: {  	[sflag:s13] =	ssyncset.done $0x0  }
.Ltmp2:
0x22: {  	[sflag:s13] =	ssyncadd.s32 $0xFFFFE700;
	(pc) =	sbr.rel .LBB2_2-.Ltmp2, $4  }
0x23: {  	s31 =	simm.s32 $0x80;
	[bflag:$0x0] =	sbarrier.arrive $0xFFFF  }
0x24: {  	[tilespmem:s17], [sflag:$0x1] =	stream.indirect.gather [hbm4b:s2+s16], $0x80, s4, s16, $0xb8;
	[tilespmem:$0x1F800] =	vst v63  }
0x25: {  	s25 =	simm.s32 $0x100;
	s26 =	simm.s32 $0x2;
	s28 =	simm.s32 $0x0  }
0x26: {  	[tilespmem:s19], [sflag:$0x2] =	stream.indirect.gather [hbm4b:s2+s16], $0x80, s31, s16, $0xb8;
	[tilespmem:$0x1F800] =	vst v63  }
.LBB2_6:
0x27: {  	_ =	swait.ge [sflag:s20], $0x2800  }
0x28: {  	p0 =	sgt.u32 s28, $0x7A;
	s18 =	sshll.u32 s29, $0xD;
	[sflag:s20] =	ssyncset.done $0x0  }
0x29: {  	s0 =	simm.s32 @!p0 $0x50;
	s1 =	simm.s32 @!p0 $0x6800;
	[sflag:s20] =	ssyncadd.s32 $0xFFFFD800  }
0x2a: {  	[tilespmem:s1], [sflag:$0x2] =	stream.indirect.gather @!p0 [hbm4b:s2+s0], $0x80, s31, s0, $0xb8;
	[tilespmem:$0x1F800] =	vst v63  }
0x2b: {  	s0 =	sand.u32 $0x2000, s18;
	s31 =	sshll.u32 s30, $0x7  }
0x2c: {  	s0 =	sadd.s32 s31, s0  }
0x2d: {  	s29 =	simm.s32 $0x4;
	s0 =	sadd.s32 $0x1000, s0  }
0x2e: {  	[spmem:s3] =	stream.indirect.scatter.add.f32 [tilespmem:s21], [sflag:$0x4], $0x80, s0, s16, $0xb8;
	[tilespmem:$0x1F800] =	vst v63  }
.LBB2_7:
0x2f: {  	s28 =	sadd.s32 $0x1, s28  }
0x30: {  	p0 =	sne.s32 s28, $0x7D  }
.Ltmp3:
0x31: {  	_ = 	snop;
	(pc) =	sbr.rel @!p0 .LBB2_8-.Ltmp3, $4  }
0x32: {  	_ = 	snop  }
0x33: {  	_ =	swait.ge [sflag:s29], $0x2800  }
0x34: {  	[sflag:s29] =	ssyncset.done $0x0  }
0x35: {  	s25 =	sadd.s32 $0x80, s25;
	s26 =	sadd.s32 $0x1, s26;
	[sflag:s29] =	ssyncadd.s32 $0xFFFFD800  }
.LBB2_2:
0x36: {  	s0 =	smul.u32 $0x29, s28;
	_ =	sdelay $0x1  }
0x37: {  	s0 =	sshrl.u32 s0, $0xA  }
0x38: {  	s29 =	sand.u32 $0x3F, s0  }
0x39: {  	s0 =	smul.u32 $0x19, s29;
	_ =	sdelay $0x1  }
0x3a: {  	p0 =	sgt.u32 s28, $0x63;
	s30 =	ssub.s32 s28, s0  }
0x3b: {  	s0 =	sand.u32 @!p0 $0xFF, s30  }
0x3c: {  	p1 =	sne.s32 @!p0 s0, $0x0  }
0x3d: {  	p0 =	por p1, p0  }
0x3e: {  	s0 =	sshll.u32 @!p0 s29, $0xD  }
0x3f: {  	s0 =	sadd.s32 @!p0 $0x2000, s0  }
0x40: {  	s31 =	sadd.s32 @!p0 s6, s0  }
0x41: {  	s1 =	smulhi.u32 $0x51EB851F, s26;
	s31 =	sshrl.u32 @!p0 s31, $0x3  }
0x42: {  	s15 =	simm.s32 @!p0 $0x0;
	s0 =	sand.u32 @!p0 $0x2000, s0;
	s31 =	sadd.s32 @!p0 s5, s31  }
0x43: {  	[tilespmem:s0], [sflag:$0x5] =	stream.linear.gather @!p0 [hbm4b:s31+s15], $0xC80, $0x38;
	[tilespmem:$0x1F800] =	vst v63  }
0x44: {  	s18 =	smulhi.u32 $0xAAAAAAAB, s28;
	s31 =	sadd.s32 @!p0 $0x200, s31;
	s0 =	sor.u32 @!p0 $0x1000, s0  }
0x45: {  	[tilespmem:s0], [sflag:$0x5] =	stream.linear.gather @!p0 [hbm4b:s31+s15], $0xC80, $0x38;
	[tilespmem:$0x1F800] =	vst v63  }
0x46: {  	s15 =	sshrl.u32 s1, $0x3  }
0x47: {  	s18 =	sshrl.u32 s18, $0x1;
	s0 =	smul.u32 $0x3200, s15  }
0x48: {  	s1 =	sshll.u32 s1, $0xC;
	s15 =	smul.u32 $0xFFFFFFFD, s18  }
0x49: {  	s1 =	sand.u32 $0x8000, s1  }
0x4a: {  	s1 =	ssub.s32 s1, s0;
	s0 =	sadd.s32 s15, s28  }
0x4b: {  	p1 =	seq.s32 s0, $0x2  }
.Ltmp4:
0x4c: {  	_ = 	snop;
	(pc) =	sbr.rel @p1 .LBB2_6-.Ltmp4, $4  }
0x4d: {  	s18 =	simm.s32 @!p0 $0x5  }
0x4e: {  	_ =	swait.ge @!p0 [sflag:s18], $0x1900  }
0x4f: {  	[sflag:s18] =	ssyncset.done @!p0 $0x0;
	s1 =	sshra.s32 s1, $0x2  }
0x50: {  	s30 =	sand.u32 $0xFF, s30;
	[sflag:s18] =	ssyncadd.s32 @!p0 $0xFFFFE700;
	s31 =	sadd.s32 s1, s25  }
0x51: {  	p0 =	seq.s32 s0, $0x1  }
.Ltmp5:
0x52: {  	_ = 	snop;
	(pc) =	sbr.rel @!p0 .LBB2_4-.Ltmp5, $1  }
0x53: {  	_ =	sdelay $0x3  }
0x54: {  	_ =	swait.ge [sflag:s22], $0x2800  }
0x55: {  	p0 =	sgt.u32 s28, $0x7A;
	[sflag:s22] =	ssyncset.done $0x0  }
0x56: {  	s0 =	simm.s32 @!p0 $0x50;
	s1 =	simm.s32 @!p0 $0x4000;
	[sflag:s22] =	ssyncadd.s32 $0xFFFFD800  }
0x57: {  	[tilespmem:s1], [sflag:$0x1] =	stream.indirect.gather @!p0 [hbm4b:s2+s0], $0x80, s31, s0, $0xb8;
	[tilespmem:$0x1F800] =	vst v63  }
.Ltmp6:
0x58: {  	s18 =	sshll.u32 s29, $0xD;
	(pc) =	sbr.rel .LBB2_7-.Ltmp6, $4  }
0x59: {  	s0 =	sand.u32 $0x2000, s18;
	s31 =	sshll.u32 s30, $0x7  }
0x5a: {  	s0 =	sadd.s32 s31, s0  }
0x5b: {  	s29 =	simm.s32 $0x5;
	s0 =	sadd.s32 $0x1000, s0  }
0x5c: {  	[spmem:s3] =	stream.indirect.scatter.add.f32 [tilespmem:s19], [sflag:$0x5], $0x80, s0, s16, $0xb8;
	[tilespmem:$0x1F800] =	vst v63  }
.LBB2_4:
0x5d: {  	_ =	swait.ge [sflag:s23], $0x2800  }
0x5e: {  	p0 =	sgt.u32 s28, $0x7A;
	[sflag:s23] =	ssyncset.done $0x0  }
0x5f: {  	s0 =	simm.s32 @!p0 $0x50;
	s1 =	simm.s32 @!p0 $0x9000;
	[sflag:s23] =	ssyncadd.s32 $0xFFFFD800  }
0x60: {  	[tilespmem:s1], [sflag:$0x3] =	stream.indirect.gather @!p0 [hbm4b:s2+s0], $0x80, s31, s0, $0xb8;
	[tilespmem:$0x1F800] =	vst v63  }
.Ltmp7:
0x61: {  	s18 =	sshll.u32 s29, $0xD;
	(pc) =	sbr.rel .LBB2_7-.Ltmp7, $4  }
0x62: {  	s0 =	sand.u32 $0x2000, s18;
	s31 =	sshll.u32 s30, $0x7  }
0x63: {  	s0 =	sadd.s32 s31, s0  }
0x64: {  	s29 =	simm.s32 $0x5;
	s0 =	sadd.s32 $0x1000, s0  }
0x65: {  	[spmem:s3] =	stream.indirect.scatter.add.f32 [tilespmem:s17], [sflag:$0x5], $0x80, s0, s16, $0xb8;
	[tilespmem:$0x1F800] =	vst v63  }
.LBB2_9:
0x66: {  	_ =	sfence.sel $0x180000  }
0x67: {  	[bflag:$0x0] =	sbarrier.arrive $0xFFFF  }
0x68: {  	_ =	strace $0x9000004A  }
0x69: {  	s0 =	stileid.u32;
	[bflag:$0x2] =	sbarrier.arrive $0xFFFF  }
0x6a: {  	p0 =	sne.s32 s0, $0x0;
	s0 =	rddreg [dreg:$0x3]  }
0x6b: {  	s0 =	sadd.s32 @!p0 $0x100000, s0  }
0x6c: {  	[sflag:s0] =	ssyncadd.tile.s32 @!p0 $0x1;
	_ =	shalt  }
.Lfunc_end2:
_tile_overlayer_lowered:
.L_overlay_start_2:
0x6d: {  	(tag) =	ssettag $0x2  }
0x6e: {  	s0 =	rddreg [dreg:$0x0];
	s2 =	stileid.u32  }
0x6f: {  	s1 =	rddreg [dreg:$0x1];
	p0 =	sne.s32 s2, $0x0  }
0x70: {  	s3 =	rddreg [dreg:$0x2];
	[bflag:$0x3] =	sbarrier.arrive $0xFFFF;
	s2 =	simm.s32 @!p0 $0x1C04  }
0x71: {  	[timem:s3], [sflag:s2] =	dma.local @!p0 [hbm:s0], s1  }
0x72: {  	s0 =	simm.s32 @!p0 $0x4  }
0x73: {  	_ =	swait.ge @!p0 [sflag:s0], s1  }
0x74: {  	s1 =	ssub.s32 @!p0 $0x0, s1;
	[sflag:s0] =	ssyncset.done @!p0 $0x0  }
0x75: {  	[sflag:s0] =	ssyncadd.s32 @!p0 s1  }
0x76: {  	[bflag:$0x3] =	sbarrier.arrive $0xFFFF  }
0x77: {  	_ =	shalt  }

// kernel: kernel.14.cloned.1.call-start
scs
__scs_entry_jumppad:
0x0: {  	(pc) =	sbr.rel $0x88, $3  }
0x1: {  	(tag) =	ssettag $0x0;
	lr =	simm.s32 $0x1  }
0x2: {  	[smem:$0x3F9B] =	sst lr;
	_ =	strace $0xD0000000  }
0x3: {  	_ = 	snop  }
0x4: {  	_ = 	snop  }
0x5: {  	_ = 	snop  }
0x6: {  	_ = 	snop  }
0x7: {  	_ = 	snop  }
__scs_overlays_trampoline_lowered:
0x8: {  	[smem:$0x3FAA] =	sst s0  }
0x9: {  	[smem:$0x3FAB] =	sst s1  }
0xa: {  	[smem:$0x3FAC] =	sst s2  }
0xb: {  	[smem:$0x3FAD] =	sst s3  }
0xc: {  	[smem:$0x3FAE] =	sst s4  }
0xd: {  	[smem:$0x3FAF] =	sst s5  }
0xe: {  	[smem:$0x3FB0] =	sst s6  }
0xf: {  	[smem:$0x3FB1] =	sst s7  }
0x10: {  	[smem:$0x3FB2] =	sst s8  }
0x11: {  	[smem:$0x3FB3] =	sst s9;
	s0 =	simm.s32 @!p0 $0x0  }
0x12: {  	s1 =	sld [smem:$0x3F99];
	s0 =	simm.s32 @p0 $0x1  }
0x13: {  	[smem:$0x3FB4] =	sst s0;
	s0 =	simm.s32 @!p1 $0x0  }
0x14: {  	s2 =	sld [smem:$0x3F98];
	s0 =	simm.s32 @p1 $0x1  }
0x15: {  	[smem:$0x3FB5] =	sst s0;
	s0 =	simm.s32 @!p2 $0x0  }
0x16: {  	s3 =	sld [smem:$0x3FDB];
	s0 =	simm.s32 @p2 $0x1  }
0x17: {  	s4 =	simm.s32 $0x1BF5;
	[smem:$0x3FB7] =	sst s0  }
0x18: {  	s0 =	sld [smem:$0x3F9A];
	_ =	swait.ge [sflag:s4], $0x0  }
0x19: {  	s7 =	sld [smem:$0x3F9B]  }
0x1a: {  	s8 =	sadd.s32 $0xFFFFE003, lr  }
0x1b: {  	s9 =	sadd.s32 $0xFFFFFEF7, lr;
	s5 =	simm.s32 $0xFFFFFFFF;
	p2 =	slt.u32 s8, $0xFFFFF086  }
0x1c: {  	p1 =	slt.u32 s9, $0xF7A;
	s5 =	simm.s32 @!p2 $0x0  }
0x1d: {  	s5 =	simm.s32 @p1 $0x1;
	p0 =	seq.s32 s7, s2  }
0x1e: {  	s7 =	smul.u32 @!p0 $0xF7A, s2;
	p2 =	seq.s32 @!p0 s5, $0x0  }
0x1f: {  	s9 =	smul.u32 $0xF7A, s1;
	s8 =	simm.s32 @!p0 $0x1BF5;
	p2 =	por !p2, p0  }
0x20: {  	[sflag:s8] =	ssyncset.s32 @!p0 $0xFFFFF086;
	s6 =	sadd.s32 @!p0 s3, s7;
	s7 =	simm.s32 @!p0 $0x108  }
0x21: {  	s3 =	sadd.s32 s3, s9;
	s6 =	sadd.s32 @!p0 $0x88, s6;
	s7 =	simm.s32 @p2 $0x1082  }
0x22: {  	[simem:s7], [sflag:s8] =	dma.local @!p0 [hbm:s6], $0xF7A  }
0x23: {  	s9 =	sor.u32 $0xD0000000, s2;
	s6 =	simm.s32 $0x108;
	_ =	swait.ge @!p0 [sflag:s8], $0x0  }
0x24: {  	s3 =	sadd.s32 $0x88, s3;
	s6 =	simm.s32 @!p1 $0x1082;
	[sflag:s4] =	ssyncset.s32 $0xFFFFF086  }
0x25: {  	[simem:s6], [sflag:s4] =	dma.local [hbm:s3], $0xF7A  }
0x26: {  	[smem:$0x3F9B] =	sst s1;
	(tag) =	ssettag s2;
	_ =	strace s9  }
0x27: {  	s1 =	sld [smem:$0x3FAB]  }
0x28: {  	s2 =	sld [smem:$0x3FAC]  }
0x29: {  	s4 =	sld [smem:$0x3FAE]  }
0x2a: {  	p0 =	seq.s32 s5, $0x0;
	s5 =	sld [smem:$0x3FAF]  }
0x2b: {  	s6 =	sld [smem:$0x3FB0]  }
0x2c: {  	s7 =	sld [smem:$0x3FB1]  }
0x2d: {  	s3 =	simm.s32 $0x108;
	s8 =	sld [smem:$0x3FB2]  }
0x2e: {  	s3 =	simm.s32 @!p0 $0x1082;
	s9 =	sld [smem:$0x3FB3]  }
0x2f: {  	lr =	sadd.s32 s0, s3;
	s0 =	sld [smem:$0x3FAA]  }
0x30: {  	s3 =	sld [smem:$0x3FAD]  }
0x31: {  	[smem:$0x3FB6] =	sst s10  }
0x32: {  	s10 =	sld [smem:$0x3FB4];
	_ =	sdelay $0x3  }
0x33: {  	p0 =	seq.s32 s10, $0x1;
	s10 =	sld [smem:$0x3FB6];
	_ =	sdelay $0x3  }
0x34: {  	[smem:$0x3FB6] =	sst s10  }
0x35: {  	s10 =	sld [smem:$0x3FB5];
	_ =	sdelay $0x3  }
0x36: {  	p1 =	seq.s32 s10, $0x1;
	s10 =	sld [smem:$0x3FB6];
	_ =	sdelay $0x3  }
0x37: {  	[smem:$0x3FB6] =	sst s10  }
0x38: {  	s10 =	sld [smem:$0x3FB7]  }
0x39: {  	_ = 	snop;
	(pc) =	sbr.ind lr, $3  }
0x3a: {  	_ = 	snop  }
0x3b: {  	_ = 	snop  }
0x3c: {  	p2 =	seq.s32 s10, $0x1;
	s10 =	sld [smem:$0x3FB6]  }
0x3d: {  	_ =	shalt  }
0x3e: {  	_ =	shalt  }
0x3f: {  	_ =	shalt  }
0x40: {  	_ =	shalt  }
0x41: {  	_ =	shalt  }
0x42: {  	_ =	shalt  }
0x43: {  	_ =	shalt  }
0x44: {  	_ =	shalt  }
0x45: {  	_ =	shalt  }
0x46: {  	_ =	shalt  }
0x47: {  	_ =	shalt  }
0x48: {  	_ =	shalt  }
0x49: {  	_ =	shalt  }
0x4a: {  	_ =	shalt  }
0x4b: {  	_ =	shalt  }
0x4c: {  	_ =	shalt  }
0x4d: {  	_ =	shalt  }
0x4e: {  	_ =	shalt  }
0x4f: {  	_ =	shalt  }
0x50: {  	_ =	shalt  }
0x51: {  	_ =	shalt  }
0x52: {  	_ =	shalt  }
0x53: {  	_ =	shalt  }
0x54: {  	_ =	shalt  }
0x55: {  	_ =	shalt  }
0x56: {  	_ =	shalt  }
0x57: {  	_ =	shalt  }
0x58: {  	_ =	shalt  }
0x59: {  	_ =	shalt  }
0x5a: {  	_ =	shalt  }
0x5b: {  	_ =	shalt  }
0x5c: {  	_ =	shalt  }
0x5d: {  	_ =	shalt  }
0x5e: {  	_ =	shalt  }
0x5f: {  	_ =	shalt  }
0x60: {  	_ =	shalt  }
0x61: {  	_ =	shalt  }
0x62: {  	_ =	shalt  }
0x63: {  	_ =	shalt  }
0x64: {  	_ =	shalt  }
0x65: {  	_ =	shalt  }
0x66: {  	_ =	shalt  }
0x67: {  	_ =	shalt  }
0x68: {  	_ =	shalt  }
0x69: {  	_ =	shalt  }
0x6a: {  	_ =	shalt  }
0x6b: {  	_ =	shalt  }
0x6c: {  	_ =	shalt  }
0x6d: {  	_ =	shalt  }
0x6e: {  	_ =	shalt  }
0x6f: {  	_ =	shalt  }
0x70: {  	_ =	shalt  }
0x71: {  	_ =	shalt  }
0x72: {  	_ =	shalt  }
0x73: {  	_ =	shalt  }
0x74: {  	_ =	shalt  }
0x75: {  	_ =	shalt  }
0x76: {  	_ =	shalt  }
0x77: {  	_ =	shalt  }
0x78: {  	_ =	shalt  }
0x79: {  	_ =	shalt  }
0x7a: {  	_ =	shalt  }
0x7b: {  	_ =	shalt  }
0x7c: {  	_ =	shalt  }
0x7d: {  	_ =	shalt  }
0x7e: {  	_ =	shalt  }
0x7f: {  	_ =	shalt  }
0x80: {  	_ =	shalt  }
0x81: {  	_ =	shalt  }
0x82: {  	_ =	shalt  }
0x83: {  	_ =	shalt  }
0x84: {  	_ =	shalt  }
0x85: {  	_ =	shalt  }
0x86: {  	_ =	shalt  }
0x87: {  	_ =	shalt  }
.Lfunc_end0:
.L_simem_size_0:
called_computation.2_lowered:
.L_overlay_start_0:
0x88: {  	s2 =	sld [smem:$0x3FD9]  }
0x89: {  	s3 =	sld [smem:$0x3FFE];
	_ =	sdelay $0x1  }
0x8a: {  	s1 =	srdreg.scid  }
0x8b: {  	s0 =	sand.u32 $0x1, s1  }
0x8c: {  	s17 =	sshll.u32 s0, $0xA;
	s2 =	sadd.s32 s3, s2  }
0x8d: {  	s2 =	sadd.s32 s2, s17  }
0x8e: {  	[smem:$0x3FC2] =	sst s2  }
0x8f: {  	_ = 	snop  }
0x90: {  	s2 =	sld [smem:$0x3FD0];
	(tm) =	ssettm $0x1  }
0x91: {  	s18 =	sld [smem:$0x3FFB];
	_ =	sdelay $0x3  }
0x92: {  	_ =	strace s18  }
0x93: {  	s3 =	sld [smem:$0x3FFC];
	_ =	sdelay $0x3  }
0x94: {  	_ =	strace s3  }
0x95: {  	s3 =	sld [smem:$0x3FFD];
	_ =	sdelay $0x3  }
0x96: {  	_ =	strace s3  }
0x97: {  	_ =	strace $0x8FFFFFFF  }
0x98: {  	s19 =	sld [smem:$0x3FDB];
	_ =	sdelay $0x1  }
0x99: {  	s4 =	simm.s32 $_scs_section_size  }
0x9a: {  	s5 =	simm.s32 $_size__tile_overlayer_lowered;
	s6 =	simm.s32 $_tile_overlayer_lowered  }
0x9b: {  	s22 =	simm.s32 $0x1BFF;
	s21 =	sshll.u32 s6, $0x1;
	s3 =	sadd.s32 s4, s19  }
0x9c: {  	s7 =	simm.s32 $0x0;
	s20 =	sshll.u32 s5, $0x1;
	s5 =	sadd.s32 s21, s3  }
0x9d: {  	[timem:s7], [sflag:s22] =	dma.local [hbm:s5], s20  }
0x9e: {  	_ =	swait.ge [sflag:s22], s20  }
0x9f: {  	s4 =	ssub.s32 $0x0, s20;
	[sflag:s22] =	ssyncset.done $0x0  }
0xa0: {  	[sflag:s22] =	ssyncadd.s32 s4;
	_ =	sdelay $0x1  }
0xa1: {  	s23 =	simm.s32 $0x1B8B  }
0xa2: {  	_ =	swait.ge [sflag:s23], $0x1  }
0xa3: {  	[sflag:s23] =	ssyncset.done $0x0  }
0xa4: {  	s25 =	simm.s32 $0x1B8E;
	s24 =	sld [smem:$0x3FFE];
	[sflag:s23] =	ssyncadd.s32 $0xFFFFFFFF  }
0xa5: {  	s26 =	simm.s32 $execute0_lowered;
	[smem:$0x3FD2] =	sst s25  }
0xa6: {  	s5 =	sshll.u32 s26, $0x1;
	_ =	strace $0x8000004C;
	[dreg:$0x1] =	wrdreg $0xFFFFFFFF  }
0xa7: {  	s28 =	simm.s32 $_size_execute0_lowered;
	s3 =	sadd.s32 s3, s5;
	[dreg:$0x0] =	wrdreg $0x0  }
0xa8: {  	s5 =	sshll.u32 s28, $0x1;
	[dreg:$0x2] =	wrdreg s3  }
0xa9: {  	[dreg:$0x3] =	wrdreg s5  }
0xaa: {  	[dreg:$0x4] =	wrdreg $0xC0  }
0xab: {  	_ =	task [dreg:s7], $0x5FFFF  }
0xac: {  	[dreg:$0x1] =	wrdreg $0xFFFFFFFF  }
0xad: {  	[dreg:$0x0] =	wrdreg $0x60  }
0xae: {  	[dreg:$0x2] =	wrdreg s2  }
0xaf: {  	[dreg:$0x3] =	wrdreg s24  }
0xb0: {  	[dreg:$0x4] =	wrdreg $0xB8000  }
0xb1: {  	[dreg:$0x5] =	wrdreg $0x9  }
0xb2: {  	_ =	task.clear_ibuf [dreg:s7], $0x6FFFF;
	_ =	strace $0x9000004C  }
0xb3: {  	s29 =	simm.s32 $0x9;
	_ =	strace $0x8000004E  }
0xb4: {  	_ =	swait.ge [sflag:s29], $0x1  }
0xb5: {  	[sflag:s29] =	ssyncadd.s32 $0xFFFFFFFF  }
0xb6: {  	_ =	strace $0x9000004E  }
0xb7: {  	_ =	sfence  }
0xb8: {  	s30 =	sld [smem:$0x0];
	_ =	sdelay $0x2  }
0xb9: {  	s31 =	sshll.u32 s1, $0xD;
	s1 =	sshrl.u32 s1, $0x2  }
0xba: {  	s3 =	sand.u32 $0x4000, s31;
	s1 =	sadd.s32 s1, s30  }
0xbb: {  	s0 =	sor.u32 s3, s0;
	s1 =	sshll.u32 s1, $0x11  }
0xbc: {  	s0 =	sor.u32 s1, s0  }
0xbd: {  	s0 =	sadd.s32 $0x8F2B, s0  }
0xbe: {  	[sflag:s0] =	ssyncadd.remote.s32 $0x1  }
0xbf: {  	_ =	sfence.sel $0xFFFF  }
0xc0: {  	[dreg:$0x0] =	wrdreg $0xFFFFFFFF;
	(pc) =	sbr.abs _section_cstart, $3  }
0xc1: {  	[dreg:$0x1] =	wrdreg $0xFFFFFFFF  }
0xc2: {  	_ =	task.clear_ibuf [dreg:s7], $0x2FFFF;
	_ =	strace $0x9FFFFFFF  }
0xc3: {  	(tm) =	ssettm $0x7FFFFFFF  }
tec
execute0_lowered:
.L_overlay_start_1:
0x0: {  	(tag) =	ssettag $0x1  }
0x1: {  	s2 =	rddreg [dreg:$0x0]  }
0x2: {  	s0 =	rddreg [dreg:$0x1]  }
0x3: {  	s3 =	rddreg [dreg:$0x2]  }
0x4: {  	s1 =	stileid.u32;
	s5 =	srdreg.scid;
	s4 =	simm.s32 $0x0  }
0x5: {  	s13 =	simm.s32 $0x4;
	s16 =	simm.s32 $0x50;
	s17 =	simm.s32 $0x4000  }
0x6: {  	s19 =	simm.s32 $0x6800;
	s20 =	simm.s32 $0x3;
	s21 =	simm.s32 $0x9000  }
0x7: {  	s22 =	simm.s32 $0x2;
	s23 =	simm.s32 $0x1;
	s6 =	smul.u32 $0x14000, s1  }
0x8: {  	s24 =	simm.s32 $0x0;
	s7 =	sand.u32 $0x1, s5;
	s10 =	smul.u32 $0x50000, s1  }
0x9: {  	[smem:$0x7FF] =	sst s4;
	s5 =	sadd.s32 $0x79A00, s0;
	s8 =	smul.u32 $0x140000, s7  }
0xa: {  	s30 =	sshll.u32 s1, $0x6;
	_ =	strace $0x8000004D;
	s25 =	sshll.u32 s7, $0x4  }
0xb: {  	s9 =	sshrl.u32 s6, $0x3;
	s6 =	sadd.s32 s6, s8;
	s8 =	sor.u32 s1, s25  }
0xc: {  	s7 =	ssub.s32 $0x2, s7;
	s11 =	sshrl.u32 s6, $0x3;
	s6 =	smul.u32 $0xA000, s8  }
.Ltmp0:
0xd: {  	s12 =	sshrl.u32 s7, $0x1;
	s28 =	sshrl.u32 s10, $0x2;
	(pc) =	sbr.rel .LBB2_1-.Ltmp0, $4  }
0xe: {  	s9 =	sadd.s32 s9, s0;
	s26 =	ssub.s32 s7, s12;
	s29 =	sadd.s32 s28, s3  }
0xf: {  	s7 =	sadd.s32 $0x1A00, s9;
	s8 =	sor.u32 $0x1C04, s30;
	s31 =	sshrl.u32 s6, $0x3  }
0x10: {  	s12 =	sshrl.u32 s29, $0x3;
	s0 =	sadd.s32 s11, s0;
	s9 =	sadd.s32 s5, s31  }
0x11: {  	s11 =	smax.u32 s26, $0x1;
	s10 =	sadd.s32 $0x29A00, s0;
	s14 =	sadd.s32 $0x200, s9  }
.LBB2_8:
0x12: {  	s24 =	sadd.s32 $0x1, s24  }
0x13: {  	p0 =	sne.s32 s24, s11  }
.Ltmp1:
0x14: {  	[bflag:$0x0] =	sbarrier.arrive $0xFFFF;
	(pc) =	sbr.rel @!p0 .LBB2_9-.Ltmp1, $4  }
0x15: {  	[hbm:s10], [sflag:s8] =	dma.local [spmem:s12], $0x2800  }
0x16: {  	_ =	swait.ge [sflag:s13], $0x2800  }
0x17: {  	[sflag:s13] =	ssyncset.done $0x0  }
0x18: {  	[sflag:s13] =	ssyncadd.s32 $0xFFFFD800  }
.LBB2_1:
0x19: {  	[spmem:s12], [sflag:s8] =	dma.local [hbm:s7], $0x2800  }
0x1a: {  	_ =	swait.ge [sflag:s13], $0x2800  }
0x1b: {  	[sflag:s13] =	ssyncset.done $0x0  }
0x1c: {  	[sflag:s13] =	ssyncadd.s32 $0xFFFFD800  }
0x1d: {  	[tilespmem:s4], [sflag:$0x4] =	stream.linear.gather [hbm4b:s9+s4], $0xC80, $0x38;
	[tilespmem:$0x1F800] =	vst v63  }
0x1e: {  	s0 =	simm.s32 $0x1000  }
0x1f: {  	[tilespmem:s0], [sflag:$0x4] =	stream.linear.gather [hbm4b:s14+s4], $0xC80, $0x38;
	[tilespmem:$0x1F800] =	vst v63  }
0x20: {  	_ =	swait.ge [sflag:s13], $0x1900  }
0x21: {  	[sflag:s13] =	ssyncset.done $0x0  }
.Ltmp2:
0x22: {  	[sflag:s13] =	ssyncadd.s32 $0xFFFFE700;
	(pc) =	sbr.rel .LBB2_2-.Ltmp2, $4  }
0x23: {  	s31 =	simm.s32 $0x80;
	[bflag:$0x0] =	sbarrier.arrive $0xFFFF  }
0x24: {  	[tilespmem:s17], [sflag:$0x1] =	stream.indirect.gather [hbm4b:s2+s16], $0x80, s4, s16, $0xb8;
	[tilespmem:$0x1F800] =	vst v63  }
0x25: {  	s25 =	simm.s32 $0x100;
	s26 =	simm.s32 $0x2;
	s28 =	simm.s32 $0x0  }
0x26: {  	[tilespmem:s19], [sflag:$0x2] =	stream.indirect.gather [hbm4b:s2+s16], $0x80, s31, s16, $0xb8;
	[tilespmem:$0x1F800] =	vst v63  }
.LBB2_6:
0x27: {  	_ =	swait.ge [sflag:s20], $0x2800  }
0x28: {  	p0 =	sgt.u32 s28, $0x7A;
	s18 =	sshll.u32 s29, $0xD;
	[sflag:s20] =	ssyncset.done $0x0  }
0x29: {  	s0 =	simm.s32 @!p0 $0x50;
	s1 =	simm.s32 @!p0 $0x6800;
	[sflag:s20] =	ssyncadd.s32 $0xFFFFD800  }
0x2a: {  	[tilespmem:s1], [sflag:$0x2] =	stream.indirect.gather @!p0 [hbm4b:s2+s0], $0x80, s31, s0, $0xb8;
	[tilespmem:$0x1F800] =	vst v63  }
0x2b: {  	s0 =	sand.u32 $0x2000, s18;
	s31 =	sshll.u32 s30, $0x7  }
0x2c: {  	s0 =	sadd.s32 s31, s0  }
0x2d: {  	s29 =	simm.s32 $0x4;
	s0 =	sadd.s32 $0x1000, s0  }
0x2e: {  	[spmem:s3] =	stream.indirect.scatter.add.f32 [tilespmem:s21], [sflag:$0x4], $0x80, s0, s16, $0xb8;
	[tilespmem:$0x1F800] =	vst v63  }
.LBB2_7:
0x2f: {  	s28 =	sadd.s32 $0x1, s28  }
0x30: {  	p0 =	sne.s32 s28, $0x7D  }
.Ltmp3:
0x31: {  	_ = 	snop;
	(pc) =	sbr.rel @!p0 .LBB2_8-.Ltmp3, $4  }
0x32: {  	_ = 	snop  }
0x33: {  	_ =	swait.ge [sflag:s29], $0x2800  }
0x34: {  	[sflag:s29] =	ssyncset.done $0x0  }
0x35: {  	s25 =	sadd.s32 $0x80, s25;
	s26 =	sadd.s32 $0x1, s26;
	[sflag:s29] =	ssyncadd.s32 $0xFFFFD800  }
.LBB2_2:
0x36: {  	s0 =	smul.u32 $0x29, s28;
	_ =	sdelay $0x1  }
0x37: {  	s0 =	sshrl.u32 s0, $0xA  }
0x38: {  	s29 =	sand.u32 $0x3F, s0  }
0x39: {  	s0 =	smul.u32 $0x19, s29;
	_ =	sdelay $0x1  }
0x3a: {  	p0 =	sgt.u32 s28, $0x63;
	s30 =	ssub.s32 s28, s0  }
0x3b: {  	s0 =	sand.u32 @!p0 $0xFF, s30  }
0x3c: {  	p1 =	sne.s32 @!p0 s0, $0x0  }
0x3d: {  	p0 =	por p1, p0  }
0x3e: {  	s0 =	sshll.u32 @!p0 s29, $0xD  }
0x3f: {  	s0 =	sadd.s32 @!p0 $0x2000, s0  }
0x40: {  	s31 =	sadd.s32 @!p0 s6, s0  }
0x41: {  	s1 =	smulhi.u32 $0x51EB851F, s26;
	s31 =	sshrl.u32 @!p0 s31, $0x3  }
0x42: {  	s15 =	simm.s32 @!p0 $0x0;
	s0 =	sand.u32 @!p0 $0x2000, s0;
	s31 =	sadd.s32 @!p0 s5, s31  }
0x43: {  	[tilespmem:s0], [sflag:$0x5] =	stream.linear.gather @!p0 [hbm4b:s31+s15], $0xC80, $0x38;
	[tilespmem:$0x1F800] =	vst v63  }
0x44: {  	s18 =	smulhi.u32 $0xAAAAAAAB, s28;
	s31 =	sadd.s32 @!p0 $0x200, s31;
	s0 =	sor.u32 @!p0 $0x1000, s0  }
0x45: {  	[tilespmem:s0], [sflag:$0x5] =	stream.linear.gather @!p0 [hbm4b:s31+s15], $0xC80, $0x38;
	[tilespmem:$0x1F800] =	vst v63  }
0x46: {  	s15 =	sshrl.u32 s1, $0x3  }
0x47: {  	s18 =	sshrl.u32 s18, $0x1;
	s0 =	smul.u32 $0x3200, s15  }
0x48: {  	s1 =	sshll.u32 s1, $0xC;
	s15 =	smul.u32 $0xFFFFFFFD, s18  }
0x49: {  	s1 =	sand.u32 $0x8000, s1  }
0x4a: {  	s1 =	ssub.s32 s1, s0;
	s0 =	sadd.s32 s15, s28  }
0x4b: {  	p1 =	seq.s32 s0, $0x2  }
.Ltmp4:
0x4c: {  	_ = 	snop;
	(pc) =	sbr.rel @p1 .LBB2_6-.Ltmp4, $4  }
0x4d: {  	s18 =	simm.s32 @!p0 $0x5  }
0x4e: {  	_ =	swait.ge @!p0 [sflag:s18], $0x1900  }
0x4f: {  	[sflag:s18] =	ssyncset.done @!p0 $0x0;
	s1 =	sshra.s32 s1, $0x2  }
0x50: {  	s30 =	sand.u32 $0xFF, s30;
	[sflag:s18] =	ssyncadd.s32 @!p0 $0xFFFFE700;
	s31 =	sadd.s32 s1, s25  }
0x51: {  	p0 =	seq.s32 s0, $0x1  }
.Ltmp5:
0x52: {  	_ = 	snop;
	(pc) =	sbr.rel @!p0 .LBB2_4-.Ltmp5, $1  }
0x53: {  	_ =	sdelay $0x3  }
0x54: {  	_ =	swait.ge [sflag:s22], $0x2800  }
0x55: {  	p0 =	sgt.u32 s28, $0x7A;
	[sflag:s22] =	ssyncset.done $0x0  }
0x56: {  	s0 =	simm.s32 @!p0 $0x50;
	s1 =	simm.s32 @!p0 $0x4000;
	[sflag:s22] =	ssyncadd.s32 $0xFFFFD800  }
0x57: {  	[tilespmem:s1], [sflag:$0x1] =	stream.indirect.gather @!p0 [hbm4b:s2+s0], $0x80, s31, s0, $0xb8;
	[tilespmem:$0x1F800] =	vst v63  }
.Ltmp6:
0x58: {  	s18 =	sshll.u32 s29, $0xD;
	(pc) =	sbr.rel .LBB2_7-.Ltmp6, $4  }
0x59: {  	s0 =	sand.u32 $0x2000, s18;
	s31 =	sshll.u32 s30, $0x7  }
0x5a: {  	s0 =	sadd.s32 s31, s0  }
0x5b: {  	s29 =	simm.s32 $0x5;
	s0 =	sadd.s32 $0x1000, s0  }
0x5c: {  	[spmem:s3] =	stream.indirect.scatter.add.f32 [tilespmem:s19], [sflag:$0x5], $0x80, s0, s16, $0xb8;
	[tilespmem:$0x1F800] =	vst v63  }
.LBB2_4:
0x5d: {  	_ =	swait.ge [sflag:s23], $0x2800  }
0x5e: {  	p0 =	sgt.u32 s28, $0x7A;
	[sflag:s23] =	ssyncset.done $0x0  }
0x5f: {  	s0 =	simm.s32 @!p0 $0x50;
	s1 =	simm.s32 @!p0 $0x9000;
	[sflag:s23] =	ssyncadd.s32 $0xFFFFD800  }
0x60: {  	[tilespmem:s1], [sflag:$0x3] =	stream.indirect.gather @!p0 [hbm4b:s2+s0], $0x80, s31, s0, $0xb8;
	[tilespmem:$0x1F800] =	vst v63  }
.Ltmp7:
0x61: {  	s18 =	sshll.u32 s29, $0xD;
	(pc) =	sbr.rel .LBB2_7-.Ltmp7, $4  }
0x62: {  	s0 =	sand.u32 $0x2000, s18;
	s31 =	sshll.u32 s30, $0x7  }
0x63: {  	s0 =	sadd.s32 s31, s0  }
0x64: {  	s29 =	simm.s32 $0x5;
	s0 =	sadd.s32 $0x1000, s0  }
0x65: {  	[spmem:s3] =	stream.indirect.scatter.add.f32 [tilespmem:s17], [sflag:$0x5], $0x80, s0, s16, $0xb8;
	[tilespmem:$0x1F800] =	vst v63  }
.LBB2_9:
0x66: {  	_ =	sfence.sel $0x180000  }
0x67: {  	[bflag:$0x0] =	sbarrier.arrive $0xFFFF  }
0x68: {  	_ =	strace $0x9000004D  }
0x69: {  	s0 =	stileid.u32;
	[bflag:$0x2] =	sbarrier.arrive $0xFFFF  }
0x6a: {  	p0 =	sne.s32 s0, $0x0;
	s0 =	rddreg [dreg:$0x3]  }
0x6b: {  	s0 =	sadd.s32 @!p0 $0x100000, s0  }
0x6c: {  	[sflag:s0] =	ssyncadd.tile.s32 @!p0 $0x1;
	_ =	shalt  }
.Lfunc_end2:
_tile_overlayer_lowered:
.L_overlay_start_2:
0x6d: {  	(tag) =	ssettag $0x2  }
0x6e: {  	s0 =	rddreg [dreg:$0x0];
	s2 =	stileid.u32  }
0x6f: {  	s1 =	rddreg [dreg:$0x1];
	p0 =	sne.s32 s2, $0x0  }
0x70: {  	s3 =	rddreg [dreg:$0x2];
	[bflag:$0x3] =	sbarrier.arrive $0xFFFF;
	s2 =	simm.s32 @!p0 $0x1C04  }
0x71: {  	[timem:s3], [sflag:s2] =	dma.local @!p0 [hbm:s0], s1  }
0x72: {  	s0 =	simm.s32 @!p0 $0x4  }
0x73: {  	_ =	swait.ge @!p0 [sflag:s0], s1  }
0x74: {  	s1 =	ssub.s32 @!p0 $0x0, s1;
	[sflag:s0] =	ssyncset.done @!p0 $0x0  }
0x75: {  	[sflag:s0] =	ssyncadd.s32 @!p0 s1  }
0x76: {  	[bflag:$0x3] =	sbarrier.arrive $0xFFFF  }
0x77: {  	_ =	shalt  }

// kernel: kernel.8.cloned.1.call-start
scs
__scs_entry_jumppad:
0x0: {  	(pc) =	sbr.rel $0x88, $3  }
0x1: {  	(tag) =	ssettag $0x0;
	lr =	simm.s32 $0x1  }
0x2: {  	[smem:$0x3F9B] =	sst lr;
	_ =	strace $0xD0000000  }
0x3: {  	_ = 	snop  }
0x4: {  	_ = 	snop  }
0x5: {  	_ = 	snop  }
0x6: {  	_ = 	snop  }
0x7: {  	_ = 	snop  }
__scs_overlays_trampoline_lowered:
0x8: {  	[smem:$0x3FAA] =	sst s0  }
0x9: {  	[smem:$0x3FAB] =	sst s1  }
0xa: {  	[smem:$0x3FAC] =	sst s2  }
0xb: {  	[smem:$0x3FAD] =	sst s3  }
0xc: {  	[smem:$0x3FAE] =	sst s4  }
0xd: {  	[smem:$0x3FAF] =	sst s5  }
0xe: {  	[smem:$0x3FB0] =	sst s6  }
0xf: {  	[smem:$0x3FB1] =	sst s7  }
0x10: {  	[smem:$0x3FB2] =	sst s8  }
0x11: {  	[smem:$0x3FB3] =	sst s9;
	s0 =	simm.s32 @!p0 $0x0  }
0x12: {  	s1 =	sld [smem:$0x3F99];
	s0 =	simm.s32 @p0 $0x1  }
0x13: {  	[smem:$0x3FB4] =	sst s0;
	s0 =	simm.s32 @!p1 $0x0  }
0x14: {  	s2 =	sld [smem:$0x3F98];
	s0 =	simm.s32 @p1 $0x1  }
0x15: {  	[smem:$0x3FB5] =	sst s0;
	s0 =	simm.s32 @!p2 $0x0  }
0x16: {  	s3 =	sld [smem:$0x3FDB];
	s0 =	simm.s32 @p2 $0x1  }
0x17: {  	s4 =	simm.s32 $0x1BF5;
	[smem:$0x3FB7] =	sst s0  }
0x18: {  	s0 =	sld [smem:$0x3F9A];
	_ =	swait.ge [sflag:s4], $0x0  }
0x19: {  	s7 =	sld [smem:$0x3F9B]  }
0x1a: {  	s8 =	sadd.s32 $0xFFFFE003, lr  }
0x1b: {  	s9 =	sadd.s32 $0xFFFFFEF7, lr;
	s5 =	simm.s32 $0xFFFFFFFF;
	p2 =	slt.u32 s8, $0xFFFFF086  }
0x1c: {  	p1 =	slt.u32 s9, $0xF7A;
	s5 =	simm.s32 @!p2 $0x0  }
0x1d: {  	s5 =	simm.s32 @p1 $0x1;
	p0 =	seq.s32 s7, s2  }
0x1e: {  	s7 =	smul.u32 @!p0 $0xF7A, s2;
	p2 =	seq.s32 @!p0 s5, $0x0  }
0x1f: {  	s9 =	smul.u32 $0xF7A, s1;
	s8 =	simm.s32 @!p0 $0x1BF5;
	p2 =	por !p2, p0  }
0x20: {  	[sflag:s8] =	ssyncset.s32 @!p0 $0xFFFFF086;
	s6 =	sadd.s32 @!p0 s3, s7;
	s7 =	simm.s32 @!p0 $0x108  }
0x21: {  	s3 =	sadd.s32 s3, s9;
	s6 =	sadd.s32 @!p0 $0x88, s6;
	s7 =	simm.s32 @p2 $0x1082  }
0x22: {  	[simem:s7], [sflag:s8] =	dma.local @!p0 [hbm:s6], $0xF7A  }
0x23: {  	s9 =	sor.u32 $0xD0000000, s2;
	s6 =	simm.s32 $0x108;
	_ =	swait.ge @!p0 [sflag:s8], $0x0  }
0x24: {  	s3 =	sadd.s32 $0x88, s3;
	s6 =	simm.s32 @!p1 $0x1082;
	[sflag:s4] =	ssyncset.s32 $0xFFFFF086  }
0x25: {  	[simem:s6], [sflag:s4] =	dma.local [hbm:s3], $0xF7A  }
0x26: {  	[smem:$0x3F9B] =	sst s1;
	(tag) =	ssettag s2;
	_ =	strace s9  }
0x27: {  	s1 =	sld [smem:$0x3FAB]  }
0x28: {  	s2 =	sld [smem:$0x3FAC]  }
0x29: {  	s4 =	sld [smem:$0x3FAE]  }
0x2a: {  	p0 =	seq.s32 s5, $0x0;
	s5 =	sld [smem:$0x3FAF]  }
0x2b: {  	s6 =	sld [smem:$0x3FB0]  }
0x2c: {  	s7 =	sld [smem:$0x3FB1]  }
0x2d: {  	s3 =	simm.s32 $0x108;
	s8 =	sld [smem:$0x3FB2]  }
0x2e: {  	s3 =	simm.s32 @!p0 $0x1082;
	s9 =	sld [smem:$0x3FB3]  }
0x2f: {  	lr =	sadd.s32 s0, s3;
	s0 =	sld [smem:$0x3FAA]  }
0x30: {  	s3 =	sld [smem:$0x3FAD]  }
0x31: {  	[smem:$0x3FB6] =	sst s10  }
0x32: {  	s10 =	sld [smem:$0x3FB4];
	_ =	sdelay $0x3  }
0x33: {  	p0 =	seq.s32 s10, $0x1;
	s10 =	sld [smem:$0x3FB6];
	_ =	sdelay $0x3  }
0x34: {  	[smem:$0x3FB6] =	sst s10  }
0x35: {  	s10 =	sld [smem:$0x3FB5];
	_ =	sdelay $0x3  }
0x36: {  	p1 =	seq.s32 s10, $0x1;
	s10 =	sld [smem:$0x3FB6];
	_ =	sdelay $0x3  }
0x37: {  	[smem:$0x3FB6] =	sst s10  }
0x38: {  	s10 =	sld [smem:$0x3FB7]  }
0x39: {  	_ = 	snop;
	(pc) =	sbr.ind lr, $3  }
0x3a: {  	_ = 	snop  }
0x3b: {  	_ = 	snop  }
0x3c: {  	p2 =	seq.s32 s10, $0x1;
	s10 =	sld [smem:$0x3FB6]  }
0x3d: {  	_ =	shalt  }
0x3e: {  	_ =	shalt  }
0x3f: {  	_ =	shalt  }
0x40: {  	_ =	shalt  }
0x41: {  	_ =	shalt  }
0x42: {  	_ =	shalt  }
0x43: {  	_ =	shalt  }
0x44: {  	_ =	shalt  }
0x45: {  	_ =	shalt  }
0x46: {  	_ =	shalt  }
0x47: {  	_ =	shalt  }
0x48: {  	_ =	shalt  }
0x49: {  	_ =	shalt  }
0x4a: {  	_ =	shalt  }
0x4b: {  	_ =	shalt  }
0x4c: {  	_ =	shalt  }
0x4d: {  	_ =	shalt  }
0x4e: {  	_ =	shalt  }
0x4f: {  	_ =	shalt  }
0x50: {  	_ =	shalt  }
0x51: {  	_ =	shalt  }
0x52: {  	_ =	shalt  }
0x53: {  	_ =	shalt  }
0x54: {  	_ =	shalt  }
0x55: {  	_ =	shalt  }
0x56: {  	_ =	shalt  }
0x57: {  	_ =	shalt  }
0x58: {  	_ =	shalt  }
0x59: {  	_ =	shalt  }
0x5a: {  	_ =	shalt  }
0x5b: {  	_ =	shalt  }
0x5c: {  	_ =	shalt  }
0x5d: {  	_ =	shalt  }
0x5e: {  	_ =	shalt  }
0x5f: {  	_ =	shalt  }
0x60: {  	_ =	shalt  }
0x61: {  	_ =	shalt  }
0x62: {  	_ =	shalt  }
0x63: {  	_ =	shalt  }
0x64: {  	_ =	shalt  }
0x65: {  	_ =	shalt  }
0x66: {  	_ =	shalt  }
0x67: {  	_ =	shalt  }
0x68: {  	_ =	shalt  }
0x69: {  	_ =	shalt  }
0x6a: {  	_ =	shalt  }
0x6b: {  	_ =	shalt  }
0x6c: {  	_ =	shalt  }
0x6d: {  	_ =	shalt  }
0x6e: {  	_ =	shalt  }
0x6f: {  	_ =	shalt  }
0x70: {  	_ =	shalt  }
0x71: {  	_ =	shalt  }
0x72: {  	_ =	shalt  }
0x73: {  	_ =	shalt  }
0x74: {  	_ =	shalt  }
0x75: {  	_ =	shalt  }
0x76: {  	_ =	shalt  }
0x77: {  	_ =	shalt  }
0x78: {  	_ =	shalt  }
0x79: {  	_ =	shalt  }
0x7a: {  	_ =	shalt  }
0x7b: {  	_ =	shalt  }
0x7c: {  	_ =	shalt  }
0x7d: {  	_ =	shalt  }
0x7e: {  	_ =	shalt  }
0x7f: {  	_ =	shalt  }
0x80: {  	_ =	shalt  }
0x81: {  	_ =	shalt  }
0x82: {  	_ =	shalt  }
0x83: {  	_ =	shalt  }
0x84: {  	_ =	shalt  }
0x85: {  	_ =	shalt  }
0x86: {  	_ =	shalt  }
0x87: {  	_ =	shalt  }
.Lfunc_end0:
.L_simem_size_0:
called_computation_lowered:
.L_overlay_start_0:
0x88: {  	s2 =	sld [smem:$0x3FD9]  }
0x89: {  	s3 =	sld [smem:$0x3FFE];
	_ =	sdelay $0x1  }
0x8a: {  	s1 =	srdreg.scid  }
0x8b: {  	s0 =	sand.u32 $0x1, s1  }
0x8c: {  	s17 =	sshll.u32 s0, $0xA;
	s2 =	sadd.s32 s3, s2  }
0x8d: {  	s2 =	sadd.s32 s2, s17  }
0x8e: {  	[smem:$0x3FC2] =	sst s2  }
0x8f: {  	_ = 	snop  }
0x90: {  	s2 =	sld [smem:$0x3FD0];
	(tm) =	ssettm $0x1  }
0x91: {  	s18 =	sld [smem:$0x3FFB];
	_ =	sdelay $0x3  }
0x92: {  	_ =	strace s18  }
0x93: {  	s3 =	sld [smem:$0x3FFC];
	_ =	sdelay $0x3  }
0x94: {  	_ =	strace s3  }
0x95: {  	s3 =	sld [smem:$0x3FFD];
	_ =	sdelay $0x3  }
0x96: {  	_ =	strace s3  }
0x97: {  	_ =	strace $0x8FFFFFFF  }
0x98: {  	s19 =	sld [smem:$0x3FDB];
	_ =	sdelay $0x1  }
0x99: {  	s4 =	simm.s32 $_scs_section_size  }
0x9a: {  	s5 =	simm.s32 $_size__tile_overlayer_lowered;
	s6 =	simm.s32 $_tile_overlayer_lowered  }
0x9b: {  	s22 =	simm.s32 $0x1BFF;
	s21 =	sshll.u32 s6, $0x1;
	s3 =	sadd.s32 s4, s19  }
0x9c: {  	s7 =	simm.s32 $0x0;
	s20 =	sshll.u32 s5, $0x1;
	s5 =	sadd.s32 s21, s3  }
0x9d: {  	[timem:s7], [sflag:s22] =	dma.local [hbm:s5], s20  }
0x9e: {  	_ =	swait.ge [sflag:s22], s20  }
0x9f: {  	s4 =	ssub.s32 $0x0, s20;
	[sflag:s22] =	ssyncset.done $0x0  }
0xa0: {  	[sflag:s22] =	ssyncadd.s32 s4;
	_ =	sdelay $0x1  }
0xa1: {  	s23 =	simm.s32 $0x1B8B  }
0xa2: {  	_ =	swait.ge [sflag:s23], $0x1  }
0xa3: {  	[sflag:s23] =	ssyncset.done $0x0  }
0xa4: {  	s25 =	simm.s32 $0x1B8E;
	s24 =	sld [smem:$0x3FFE];
	[sflag:s23] =	ssyncadd.s32 $0xFFFFFFFF  }
0xa5: {  	s26 =	simm.s32 $execute0_lowered;
	[smem:$0x3FD2] =	sst s25  }
0xa6: {  	s5 =	sshll.u32 s26, $0x1;
	_ =	strace $0x80000046;
	[dreg:$0x1] =	wrdreg $0xFFFFFFFF  }
0xa7: {  	s28 =	simm.s32 $_size_execute0_lowered;
	s3 =	sadd.s32 s3, s5;
	[dreg:$0x0] =	wrdreg $0x0  }
0xa8: {  	s5 =	sshll.u32 s28, $0x1;
	[dreg:$0x2] =	wrdreg s3  }
0xa9: {  	[dreg:$0x3] =	wrdreg s5  }
0xaa: {  	[dreg:$0x4] =	wrdreg $0xC0  }
0xab: {  	_ =	task [dreg:s7], $0x5FFFF  }
0xac: {  	[dreg:$0x1] =	wrdreg $0xFFFFFFFF  }
0xad: {  	[dreg:$0x0] =	wrdreg $0x60  }
0xae: {  	[dreg:$0x2] =	wrdreg s2  }
0xaf: {  	[dreg:$0x3] =	wrdreg s24  }
0xb0: {  	[dreg:$0x4] =	wrdreg $0x68000  }
0xb1: {  	[dreg:$0x5] =	wrdreg $0x9  }
0xb2: {  	_ =	task.clear_ibuf [dreg:s7], $0x6FFFF;
	_ =	strace $0x90000046  }
0xb3: {  	s29 =	simm.s32 $0x9;
	_ =	strace $0x80000048  }
0xb4: {  	_ =	swait.ge [sflag:s29], $0x1  }
0xb5: {  	[sflag:s29] =	ssyncadd.s32 $0xFFFFFFFF  }
0xb6: {  	_ =	strace $0x90000048  }
0xb7: {  	_ =	sfence  }
0xb8: {  	s30 =	sld [smem:$0x0];
	_ =	sdelay $0x2  }
0xb9: {  	s31 =	sshll.u32 s1, $0xD;
	s1 =	sshrl.u32 s1, $0x2  }
0xba: {  	s3 =	sand.u32 $0x4000, s31;
	s1 =	sadd.s32 s1, s30  }
0xbb: {  	s0 =	sor.u32 s3, s0;
	s1 =	sshll.u32 s1, $0x11  }
0xbc: {  	s0 =	sor.u32 s1, s0  }
0xbd: {  	s0 =	sadd.s32 $0x8F2B, s0  }
0xbe: {  	[sflag:s0] =	ssyncadd.remote.s32 $0x1  }
0xbf: {  	_ =	sfence.sel $0xFFFF  }
0xc0: {  	[dreg:$0x0] =	wrdreg $0xFFFFFFFF;
	(pc) =	sbr.abs _section_cstart, $3  }
0xc1: {  	[dreg:$0x1] =	wrdreg $0xFFFFFFFF  }
0xc2: {  	_ =	task.clear_ibuf [dreg:s7], $0x2FFFF;
	_ =	strace $0x9FFFFFFF  }
0xc3: {  	(tm) =	ssettm $0x7FFFFFFF  }
tec
execute0_lowered:
.L_overlay_start_1:
0x0: {  	(tag) =	ssettag $0x1  }
0x1: {  	s6 =	rddreg [dreg:$0x0]  }
0x2: {  	s5 =	rddreg [dreg:$0x1]  }
0x3: {  	s2 =	rddreg [dreg:$0x2]  }
0x4: {  	s0 =	rddreg [dreg:$0x3];
	s1 =	stileid.u32  }
0x5: {  	s4 =	srdreg.scid;
	s3 =	simm.s32 $0x0;
	s14 =	simm.s32 $0x0  }
0x6: {  	s7 =	smul.u32 $0x14000, s1;
	s8 =	sand.u32 $0x1, s4;
	[smem:$0x7FF] =	sst s3  }
0x7: {  	s4 =	sadd.s32 $0x1400, s5;
	s11 =	smul.u32 $0x50000, s1;
	s30 =	sshll.u32 s1, $0xB  }
0x8: {  	s31 =	sshll.u32 s1, $0x6;
	s9 =	smul.u32 $0x140000, s8;
	_ =	strace $0x80000047  }
0x9: {  	s28 =	ssub.s32 $0x2, s8;
	s8 =	sshll.u32 s8, $0xF;
	s10 =	sshrl.u32 s7, $0x3  }
0xa: {  	s12 =	sshrl.u32 s28, $0x1;
	s29 =	sshrl.u32 s11, $0x2;
	s7 =	sadd.s32 s7, s9  }
0xb: {  	s10 =	sadd.s32 s10, s5;
	s9 =	ssub.s32 s28, s12;
	s11 =	sadd.s32 s29, s2  }
0xc: {  	s12 =	simm.s32 $0x4000;
	s7 =	sshrl.u32 s7, $0x3;
	s9 =	smax.u32 s9, $0x1  }
0xd: {  	s13 =	sadd.s32 s7, s5;
	s5 =	sadd.s32 $0x1A00, s10;
	s7 =	sadd.s32 s6, s30  }
0xe: {  	s6 =	sor.u32 $0x1C01, s31;
	s10 =	sshrl.u32 s11, $0x3;
	s11 =	simm.s32 $0x1  }
0xf: {  	s7 =	sadd.s32 s8, s7;
	s8 =	sadd.s32 $0x29A00, s13;
	s13 =	simm.s32 $0x50  }
.LBB2_1:
0x10: {  	[spmem:s10], [sflag:s6] =	dma.local [hbm:s5], $0x2800  }
0x11: {  	_ =	swait.ge [sflag:s11], $0x2800  }
0x12: {  	[sflag:s11] =	ssyncset.done $0x0  }
0x13: {  	[sflag:s11] =	ssyncadd.s32 $0xFFFFD800  }
0x14: {  	[tilespmem:s12], [sflag:$0x1] =	stream.linear.gather [hbm4b:s4+s3], $0x2800, $0x38;
	[tilespmem:$0x1A800] =	vst v63  }
0x15: {  	_ =	swait.ge [sflag:s11], $0x2800  }
0x16: {  	[sflag:s11] =	ssyncset.done $0x0  }
0x17: {  	[sflag:s11] =	ssyncadd.s32 $0xFFFFD800  }
0x18: {  	[tilespmem:s3], [sflag:$0x1] =	stream.linear.gather [hbm4b:s7+s3], $0x3E80, $0x38;
	[tilespmem:$0x1A800] =	vst v63  }
0x19: {  	_ =	swait.ge [sflag:s11], $0x3E80  }
0x1a: {  	[sflag:s11] =	ssyncset.done $0x0  }
0x1b: {  	[sflag:s11] =	ssyncadd.s32 $0xFFFFC180  }
0x1c: {  	s15 =	simm.s32 $0x0;
	[bflag:$0x0] =	sbarrier.arrive $0xFFFF  }
0x1d: {  	[spmem:s2] =	stream.indirect.scatter.add.f32 [tilespmem:s12], [sflag:$0x1], $0x80, s15, s13, $0xb8;
	[tilespmem:$0x1A800] =	vst v63  }
0x1e: {  	_ =	swait.ge [sflag:s11], $0x2800  }
0x1f: {  	s15 =	simm.s32 $0x200;
	[sflag:s11] =	ssyncset.done $0x0  }
.LBB2_2:
0x20: {  	s16 =	sshra.s32 s15, $0x2;
	[sflag:s11] =	ssyncadd.s32 $0xFFFFD800;
	p0 =	sne.s32 s15, $0xF800  }
0x21: {  	[spmem:s2] =	stream.indirect.scatter.add.f32 [tilespmem:s12], [sflag:$0x1], $0x80, s16, s13, $0xb8;
	[tilespmem:$0x1A800] =	vst v63  }
.Ltmp0:
0x22: {  	_ = 	snop;
	(pc) =	sbr.rel @p0 .LBB2_2-.Ltmp0, $4  }
0x23: {  	_ = 	snop  }
0x24: {  	s15 =	sadd.s32 $0x200, s15  }
0x25: {  	_ =	swait.ge [sflag:s11], $0x2800  }
0x26: {  	[sflag:s11] =	ssyncset.done $0x0  }
0x27: {  	s14 =	sadd.s32 $0x1, s14  }
0x28: {  	[sflag:s11] =	ssyncadd.s32 $0xFFFFD800;
	p0 =	sne.s32 s14, s9  }
.Ltmp1:
0x29: {  	[bflag:$0x0] =	sbarrier.arrive $0xFFFF;
	(pc) =	sbr.rel @p0 .LBB2_1-.Ltmp1, $4  }
0x2a: {  	[hbm:s8], [sflag:s6] =	dma.local [spmem:s10], $0x2800  }
0x2b: {  	_ =	swait.ge [sflag:s11], $0x2800  }
0x2c: {  	[sflag:s11] =	ssyncset.done $0x0  }
0x2d: {  	[sflag:s11] =	ssyncadd.s32 $0xFFFFD800  }
0x2e: {  	_ =	sfence.sel $0x180000  }
0x2f: {  	[bflag:$0x0] =	sbarrier.arrive $0xFFFF  }
0x30: {  	p0 =	sne.s32 s1, $0x0;
	_ =	strace $0x90000047  }
0x31: {  	s0 =	sadd.s32 @!p0 $0x100000, s0;
	[bflag:$0x2] =	sbarrier.arrive $0xFFFF  }
0x32: {  	[sflag:s0] =	ssyncadd.tile.s32 @!p0 $0x1;
	_ =	shalt  }
.Lfunc_end2:
_tile_overlayer_lowered:
.L_overlay_start_2:
0x33: {  	(tag) =	ssettag $0x2  }
0x34: {  	s0 =	rddreg [dreg:$0x0];
	s2 =	stileid.u32  }
0x35: {  	s1 =	rddreg [dreg:$0x1];
	p0 =	sne.s32 s2, $0x0  }
0x36: {  	s3 =	rddreg [dreg:$0x2];
	[bflag:$0x3] =	sbarrier.arrive $0xFFFF;
	s2 =	simm.s32 @!p0 $0x1C01  }
0x37: {  	[timem:s3], [sflag:s2] =	dma.local @!p0 [hbm:s0], s1  }
0x38: {  	s0 =	simm.s32 @!p0 $0x1  }
0x39: {  	_ =	swait.ge @!p0 [sflag:s0], s1  }
0x3a: {  	s1 =	ssub.s32 @!p0 $0x0, s1;
	[sflag:s0] =	ssyncset.done @!p0 $0x0  }
0x3b: {  	[sflag:s0] =	ssyncadd.s32 @!p0 s1  }
0x3c: {  	[bflag:$0x3] =	sbarrier.arrive $0xFFFF  }
0x3d: {  	_ =	shalt  }

</sc_bundles>
